<compile_context>
chip_gen: v7x
topology: tpu7x:2x2x1
jax: 0.10.2.dev20260603
libtpu: 0.0.44.dev20260713+nightly
codegen_flags: <defaults>
</compile_context>

<pallas_src>
import functools

import jax
import jax.numpy as jnp
from jax import lax
from jax.experimental import pallas as pl
from jax.experimental.pallas import tpu as pltpu
from jax.experimental.pallas import tpu_sc as plsc

N = 10000
E = 320000
D = 128
NC = 2
NS = 16
NW = NC * NS
CH = 88
NCHUNK = 114
EPT = CH * NCHUNK
EPAD = NW * EPT
NP = 10112
RPT = NP // NS


def _seg_sum_body(feat_hbm, srcp_hbm, dstp_hbm, zeros_hbm, out_hbm, agg_sh,
                  is0, is1, is2, id0, id1, id2, r0, r1, r2,
                  si0, si1, si2, sg0, sg1, sg2):
    c = lax.axis_index("c")
    s = lax.axis_index("s")
    ebase = (c * NS + s) * EPT

    IS = (is0, is1, is2)
    ID = (id0, id1, id2)
    RW = (r0, r1, r2)
    SI = (si0, si1, si2)
    SG = (sg0, sg1, sg2)

    def idx_cps(j, k):
        return (pltpu.make_async_copy(
                    srcp_hbm.at[pl.ds(ebase + j * CH, CH)], IS[k], SI[k]),
                pltpu.make_async_copy(
                    dstp_hbm.at[pl.ds(ebase + j * CH, CH)], ID[k], SI[k]))

    def fire_idx(j, k):
        for cp in idx_cps(j, k):
            cp.start()

    def wait_idx(j, k):
        for cp in idx_cps(j, k):
            cp.wait()

    def gat_cp(k):
        return pltpu.make_async_copy(feat_hbm.at[IS[k]], RW[k], SG[k])

    fire_idx(0, 0)
    fire_idx(1, 1)
    pltpu.sync_copy(zeros_hbm.at[pl.ds(s * RPT, RPT)],
                    agg_sh.at[pl.ds(s * RPT, RPT)])
    wait_idx(0, 0)
    gat_cp(0).start()
    fire_idx(2, 2)
    wait_idx(1, 1)
    gat_cp(1).start()
    plsc.subcore_barrier()

    @pl.loop(0, NCHUNK, step=3)
    def chunk(i):
        for k in range(3):
            j = i + k
            gat_cp(k).wait()
            pltpu.sync_copy(RW[k], agg_sh.at[ID[k]], add=True)

            @pl.when(j + 3 < NCHUNK)
            def _():
                fire_idx(j + 3, k)

            @pl.when(j + 2 < NCHUNK)
            def _():
                wait_idx(j + 2, (k + 2) % 3)
                gat_cp((k + 2) % 3).start()

    plsc.subcore_barrier()

    pltpu.sync_copy(agg_sh.at[pl.ds(s * RPT, RPT)],
                    out_hbm.at[pl.ds(c * NP + s * RPT, RPT)])


_seg_sum = pl.kernel(
    _seg_sum_body,
    out_type=jax.ShapeDtypeStruct((NC * NP, D), jnp.float32),
    mesh=plsc.VectorSubcoreMesh(core_axis_name="c", subcore_axis_name="s",
                                num_cores=NC, num_subcores=NS),
    scratch_types=(
        [pltpu.VMEM_SHARED((NP, D), jnp.float32)]
        + [pltpu.VMEM((CH,), jnp.int32) for _ in range(6)]
        + [pltpu.VMEM((CH, D), jnp.float32) for _ in range(3)]
        + [pltpu.SemaphoreType.DMA for _ in range(6)]
    ),
)

BM = 2000


def _mlp_body(relu, p0_ref, p1_ref, x_ref, w_ref, o_ref):
    acc = p0_ref[...] + p1_ref[...] + x_ref[...]
    y = lax.dot_general(acc, w_ref[...], (((1,), (1,)), ((), ())),
                        preferred_element_type=jnp.float32)
    o_ref[...] = jnp.maximum(y, 0.0) if relu else y


def _mlp(p0, p1, x, w, relu):
    dout = w.shape[0]
    return pl.pallas_call(
        functools.partial(_mlp_body, relu),
        grid=(N // BM,),
        in_specs=[
            pl.BlockSpec((BM, D), lambda i: (i, 0)),
            pl.BlockSpec((BM, D), lambda i: (i, 0)),
            pl.BlockSpec((BM, D), lambda i: (i, 0)),
            pl.BlockSpec((dout, D), lambda i: (0, 0)),
        ],
        out_specs=pl.BlockSpec((BM, dout), lambda i: (i, 0)),
        out_shape=jax.ShapeDtypeStruct((N, dout), jnp.float32),
    )(p0, p1, x, w)


@jax.jit
def kernel(x, edge_index, W1, W2):
    src = edge_index[0]
    dst = edge_index[1]
    pad = EPAD - E
    srcp = jnp.concatenate([src, jnp.zeros((pad,), jnp.int32)])
    dstp = jnp.concatenate([dst, jnp.full((pad,), NP - 1, jnp.int32)])
    zeros = jnp.zeros((NP, D), jnp.float32)
    p1 = _seg_sum(x, srcp, dstp, zeros)
    h = _mlp(p1[:N], p1[NP:NP + N], x, W1, relu=True)
    p2 = _seg_sum(h, srcp, dstp, zeros)
    out = _mlp(p2[:N], p2[NP:NP + N], h, W2, relu=False)
    return out

# --- scband reference (transcript-rebuilt; emitter-appended) ---
"""Pipeline reference for scband-ginnet-82197084111148 (READ-ONLY COPY).

The authoritative reference and input builder live on the scoring server;
editing this copy changes nothing except your own understanding.
"""

import jax, jax.numpy as jnp
import numpy as np

N_NODES = 10000
N_EDGES = 320000
D_IN = 128
D_HID = 128
D_OUT = 40


def setup_inputs(seed: int = 0) -> dict:
    key = jax.random.key(seed)
    k1, k2, k3, k4 = jax.random.split(key, 4)
    x = jax.random.normal(k1, (N_NODES, D_IN), dtype=jnp.float32)
    edge_index = jax.random.randint(k2, (2, N_EDGES), 0, N_NODES, dtype=jnp.int32)
    # Linear(input_dim, out_dim, bias=False).weight has shape [out_dim, in_dim]
    W1 = jax.random.normal(k3, (D_HID, D_IN), dtype=jnp.float32) * (1.0 / np.sqrt(D_IN))
    W2 = jax.random.normal(k4, (D_OUT, D_HID), dtype=jnp.float32) * (1.0 / np.sqrt(D_HID))
    return {"x": x, "edge_index": edge_index, "W1": W1, "W2": W2}


def _gin_conv(x, src, dst, W):
    # GINConv with default eps=0: nn((1+eps)*x + sum_{j in N(i)} x_j)
    msgs = jnp.take(x, src, axis=0)                      # gather over edges
    agg = jax.ops.segment_sum(msgs, dst, num_segments=N_NODES)  # scatter-add
    h = agg + x                                          # (1 + 0) * x + agg
    return h @ W.T


def reference(x, edge_index, W1, W2):
    src = edge_index[0]
    dst = edge_index[1]
    h = jax.nn.relu(_gin_conv(x, src, dst, W1))
    # dropout(p=0.5) is identity in eval mode
    out = _gin_conv(h, src, dst, W2)
    return out

if __name__ == "__main__":
    import jax
    _d = setup_inputs()
    print(jax.jit(kernel)(*tuple(_d.values())))

</pallas_src>

<mosaic_0001>
#map = affine_map<(d0, d1) -> (0, 0)>
#map1 = affine_map<(d0, d1) -> (0)>
module attributes {stable_mosaic.version = 14 : i64} {
  func.func @_seg_sum_body(%arg0: i32, %arg1: i32, %arg2: memref<10000x128xf32, #tpu.memory_space<hbm>>, %arg3: memref<321024xi32, #tpu.memory_space<hbm>>, %arg4: memref<321024xi32, #tpu.memory_space<hbm>>, %arg5: memref<10112x128xf32, #tpu.memory_space<hbm>>, %arg6: memref<20224x128xf32, #tpu.memory_space<hbm>>, %arg7: memref<10112x128xf32, #tpu.memory_space<vmem_shared>>, %arg8: memref<88xi32, #tpu.memory_space<vmem>>, %arg9: memref<88xi32, #tpu.memory_space<vmem>>, %arg10: memref<88xi32, #tpu.memory_space<vmem>>, %arg11: memref<88xi32, #tpu.memory_space<vmem>>, %arg12: memref<88xi32, #tpu.memory_space<vmem>>, %arg13: memref<88xi32, #tpu.memory_space<vmem>>, %arg14: memref<88x128xf32, #tpu.memory_space<vmem>>, %arg15: memref<88x128xf32, #tpu.memory_space<vmem>>, %arg16: memref<88x128xf32, #tpu.memory_space<vmem>>, %arg17: memref<!tpu.dma_semaphore, #tpu.memory_space<semaphore_mem>>, %arg18: memref<!tpu.dma_semaphore, #tpu.memory_space<semaphore_mem>>, %arg19: memref<!tpu.dma_semaphore, #tpu.memory_space<semaphore_mem>>, %arg20: memref<!tpu.dma_semaphore, #tpu.memory_space<semaphore_mem>>, %arg21: memref<!tpu.dma_semaphore, #tpu.memory_space<semaphore_mem>>, %arg22: memref<!tpu.dma_semaphore, #tpu.memory_space<semaphore_mem>>) attributes {dimension_semantics = [#tpu.dimension_semantics<core_parallel>, #tpu.dimension_semantics<subcore_parallel>], iteration_bounds = array<i64: 2, 16>, scalar_prefetch = 0 : i64, scratch_operands = 16 : i64, tpu.core_type = #tpu.core_type<sc_vector_subcore>, window_params = [{transform_indices = #map}, {transform_indices = #map1}, {transform_indices = #map1}, {transform_indices = #map}, {transform_indices = #map}]} {
    %mul3A = arith.constant 16 : i32
    %mul3A_0 = arith.muli %arg0, %mul3A : i32
    %add3A = arith.addi %mul3A_0, %arg1 : i32
    %mul3A_1 = arith.constant 10032 : i32
    %mul3A_2 = arith.muli %add3A, %mul3A_1 : i32
    %add3A_3 = arith.constant 0 : i32
    %add3A_4 = arith.addi %mul3A_2, %add3A_3 : i32
    %add3A_5 = arith.constant 0 : i32
    %add3A_6 = arith.addi %mul3A_2, %add3A_5 : i32
    %dma_start3A = tpu.memref_slice %arg3[%add3A_4] : memref<321024xi32, #tpu.memory_space<hbm>> -> memref<88xi32, #tpu.memory_space<hbm>>
    %dma_start3A_7 = tpu.memref_slice %arg3[%add3A_4] : memref<321024xi32, #tpu.memory_space<hbm>> -> memref<88xi32, #tpu.memory_space<hbm>>
    tpu.enqueue_dma source(%dma_start3A_7 : memref<88xi32, #tpu.memory_space<hbm>>) target(%arg8 : memref<88xi32, #tpu.memory_space<vmem>>) target_semaphore(%arg17 : memref<!tpu.dma_semaphore, #tpu.memory_space<semaphore_mem>>)
    %dma_start3A_8 = tpu.memref_slice %arg4[%add3A_6] : memref<321024xi32, #tpu.memory_space<hbm>> -> memref<88xi32, #tpu.memory_space<hbm>>
    %dma_start3A_9 = tpu.memref_slice %arg4[%add3A_6] : memref<321024xi32, #tpu.memory_space<hbm>> -> memref<88xi32, #tpu.memory_space<hbm>>
    tpu.enqueue_dma source(%dma_start3A_9 : memref<88xi32, #tpu.memory_space<hbm>>) target(%arg11 : memref<88xi32, #tpu.memory_space<vmem>>) target_semaphore(%arg17 : memref<!tpu.dma_semaphore, #tpu.memory_space<semaphore_mem>>)
    %add3A_10 = arith.constant 88 : i32
    %add3A_11 = arith.addi %mul3A_2, %add3A_10 : i32
    %add3A_12 = arith.constant 88 : i32
    %add3A_13 = arith.addi %mul3A_2, %add3A_12 : i32
    %dma_start3A_14 = tpu.memref_slice %arg3[%add3A_11] : memref<321024xi32, #tpu.memory_space<hbm>> -> memref<88xi32, #tpu.memory_space<hbm>>
    %dma_start3A_15 = tpu.memref_slice %arg3[%add3A_11] : memref<321024xi32, #tpu.memory_space<hbm>> -> memref<88xi32, #tpu.memory_space<hbm>>
    tpu.enqueue_dma source(%dma_start3A_15 : memref<88xi32, #tpu.memory_space<hbm>>) target(%arg9 : memref<88xi32, #tpu.memory_space<vmem>>) target_semaphore(%arg18 : memref<!tpu.dma_semaphore, #tpu.memory_space<semaphore_mem>>)
    %dma_start3A_16 = tpu.memref_slice %arg4[%add3A_13] : memref<321024xi32, #tpu.memory_space<hbm>> -> memref<88xi32, #tpu.memory_space<hbm>>
    %dma_start3A_17 = tpu.memref_slice %arg4[%add3A_13] : memref<321024xi32, #tpu.memory_space<hbm>> -> memref<88xi32, #tpu.memory_space<hbm>>
    tpu.enqueue_dma source(%dma_start3A_17 : memref<88xi32, #tpu.memory_space<hbm>>) target(%arg12 : memref<88xi32, #tpu.memory_space<vmem>>) target_semaphore(%arg18 : memref<!tpu.dma_semaphore, #tpu.memory_space<semaphore_mem>>)
    %mul3A_18 = arith.constant 632 : i32
    %mul3A_19 = arith.muli %arg1, %mul3A_18 : i32
    %mul3A_20 = arith.constant 632 : i32
    %mul3A_21 = arith.muli %arg1, %mul3A_20 : i32
    "tpu.region"() ({
      %run_scoped3A = tpu.sem_alloc : memref<!tpu.dma_semaphore, #tpu.memory_space<semaphore_mem>>
      %dma_start3A_63 = arith.constant 0 : i32
      %dma_start3A_64 = tpu.memref_slice %arg7[%mul3A_21, %dma_start3A_63] : memref<10112x128xf32, #tpu.memory_space<vmem_shared>> -> memref<632x128xf32, #tpu.memory_space<vmem_shared>>
      %dma_start3A_65 = arith.constant 0 : i32
      %dma_start3A_66 = tpu.memref_slice %arg5[%mul3A_19, %dma_start3A_65] : memref<10112x128xf32, #tpu.memory_space<hbm>> -> memref<632x128xf32, #tpu.memory_space<hbm>>
      tpu.enqueue_dma source(%dma_start3A_66 : memref<632x128xf32, #tpu.memory_space<hbm>>) target(%dma_start3A_64 : memref<632x128xf32, #tpu.memory_space<vmem_shared>>) target_semaphore(%run_scoped3A : memref<!tpu.dma_semaphore, #tpu.memory_space<semaphore_mem>>)
      %dma_wait3A_67 = arith.constant 0 : i32
      %dma_wait3A_68 = tpu.memref_slice %arg7[%mul3A_21, %dma_wait3A_67] : memref<10112x128xf32, #tpu.memory_space<vmem_shared>> -> memref<632x128xf32, #tpu.memory_space<vmem_shared>>
      %dma_wait3A_69 = arith.constant 0 : i32
      %dma_wait3A_70 = tpu.memref_slice %arg5[%mul3A_19, %dma_wait3A_69] : memref<10112x128xf32, #tpu.memory_space<hbm>> -> memref<632x128xf32, #tpu.memory_space<hbm>>
      tpu.wait_dma2 semaphore(%run_scoped3A : memref<!tpu.dma_semaphore, #tpu.memory_space<semaphore_mem>>) src(%dma_wait3A_70 : memref<632x128xf32, #tpu.memory_space<hbm>>) dst(%dma_wait3A_68 : memref<632x128xf32, #tpu.memory_space<vmem_shared>>)
      tpu.yield
    }) : () -> ()
    %add3A_22 = arith.constant 0 : i32
    %add3A_23 = arith.addi %mul3A_2, %add3A_22 : i32
    %add3A_24 = arith.constant 0 : i32
    %add3A_25 = arith.addi %mul3A_2, %add3A_24 : i32
    %dma_wait3A = tpu.memref_slice %arg3[%add3A_23] : memref<321024xi32, #tpu.memory_space<hbm>> -> memref<88xi32, #tpu.memory_space<hbm>>
    %dma_wait3A_26 = tpu.memref_slice %arg3[%add3A_23] : memref<321024xi32, #tpu.memory_space<hbm>> -> memref<88xi32, #tpu.memory_space<hbm>>
    tpu.wait_dma2 semaphore(%arg17 : memref<!tpu.dma_semaphore, #tpu.memory_space<semaphore_mem>>) src(%dma_wait3A_26 : memref<88xi32, #tpu.memory_space<hbm>>) dst(%arg8 : memref<88xi32, #tpu.memory_space<vmem>>)
    %dma_wait3A_27 = tpu.memref_slice %arg4[%add3A_25] : memref<321024xi32, #tpu.memory_space<hbm>> -> memref<88xi32, #tpu.memory_space<hbm>>
    %dma_wait3A_28 = tpu.memref_slice %arg4[%add3A_25] : memref<321024xi32, #tpu.memory_space<hbm>> -> memref<88xi32, #tpu.memory_space<hbm>>
    tpu.wait_dma2 semaphore(%arg17 : memref<!tpu.dma_semaphore, #tpu.memory_space<semaphore_mem>>) src(%dma_wait3A_28 : memref<88xi32, #tpu.memory_space<hbm>>) dst(%arg11 : memref<88xi32, #tpu.memory_space<vmem>>)
    %dma_start3A_29 = arith.constant 0 : i32
    %dma_start3A_30 = arith.constant 0 : i32
    %dma_start3A_31 = tpu.memref_slice %arg2[%dma_start3A_29, %dma_start3A_30] : memref<10000x128xf32, #tpu.memory_space<hbm>> -> memref<10000x128xf32, #tpu.memory_space<hbm>>
    tpu.enqueue_indirect_dma source(%dma_start3A_31 : memref<10000x128xf32, #tpu.memory_space<hbm>>) target(%arg14 : memref<88x128xf32, #tpu.memory_space<vmem>>) offsets(%arg8 : memref<88xi32, #tpu.memory_space<vmem>>) semaphore(%arg20 : memref<!tpu.dma_semaphore, #tpu.memory_space<semaphore_mem>>)
    %add3A_32 = arith.constant 176 : i32
    %add3A_33 = arith.addi %mul3A_2, %add3A_32 : i32
    %add3A_34 = arith.constant 176 : i32
    %add3A_35 = arith.addi %mul3A_2, %add3A_34 : i32
    %dma_start3A_36 = tpu.memref_slice %arg3[%add3A_33] : memref<321024xi32, #tpu.memory_space<hbm>> -> memref<88xi32, #tpu.memory_space<hbm>>
    %dma_start3A_37 = tpu.memref_slice %arg3[%add3A_33] : memref<321024xi32, #tpu.memory_space<hbm>> -> memref<88xi32, #tpu.memory_space<hbm>>
    tpu.enqueue_dma source(%dma_start3A_37 : memref<88xi32, #tpu.memory_space<hbm>>) target(%arg10 : memref<88xi32, #tpu.memory_space<vmem>>) target_semaphore(%arg19 : memref<!tpu.dma_semaphore, #tpu.memory_space<semaphore_mem>>)
    %dma_start3A_38 = tpu.memref_slice %arg4[%add3A_35] : memref<321024xi32, #tpu.memory_space<hbm>> -> memref<88xi32, #tpu.memory_space<hbm>>
    %dma_start3A_39 = tpu.memref_slice %arg4[%add3A_35] : memref<321024xi32, #tpu.memory_space<hbm>> -> memref<88xi32, #tpu.memory_space<hbm>>
    tpu.enqueue_dma source(%dma_start3A_39 : memref<88xi32, #tpu.memory_space<hbm>>) target(%arg13 : memref<88xi32, #tpu.memory_space<vmem>>) target_semaphore(%arg19 : memref<!tpu.dma_semaphore, #tpu.memory_space<semaphore_mem>>)
    %add3A_40 = arith.constant 88 : i32
    %add3A_41 = arith.addi %mul3A_2, %add3A_40 : i32
    %add3A_42 = arith.constant 88 : i32
    %add3A_43 = arith.addi %mul3A_2, %add3A_42 : i32
    %dma_wait3A_44 = tpu.memref_slice %arg3[%add3A_41] : memref<321024xi32, #tpu.memory_space<hbm>> -> memref<88xi32, #tpu.memory_space<hbm>>
    %dma_wait3A_45 = tpu.memref_slice %arg3[%add3A_41] : memref<321024xi32, #tpu.memory_space<hbm>> -> memref<88xi32, #tpu.memory_space<hbm>>
    tpu.wait_dma2 semaphore(%arg18 : memref<!tpu.dma_semaphore, #tpu.memory_space<semaphore_mem>>) src(%dma_wait3A_45 : memref<88xi32, #tpu.memory_space<hbm>>) dst(%arg9 : memref<88xi32, #tpu.memory_space<vmem>>)
    %dma_wait3A_46 = tpu.memref_slice %arg4[%add3A_43] : memref<321024xi32, #tpu.memory_space<hbm>> -> memref<88xi32, #tpu.memory_space<hbm>>
    %dma_wait3A_47 = tpu.memref_slice %arg4[%add3A_43] : memref<321024xi32, #tpu.memory_space<hbm>> -> memref<88xi32, #tpu.memory_space<hbm>>
    tpu.wait_dma2 semaphore(%arg18 : memref<!tpu.dma_semaphore, #tpu.memory_space<semaphore_mem>>) src(%dma_wait3A_47 : memref<88xi32, #tpu.memory_space<hbm>>) dst(%arg12 : memref<88xi32, #tpu.memory_space<vmem>>)
    %dma_start3A_48 = arith.constant 0 : i32
    %dma_start3A_49 = arith.constant 0 : i32
    %dma_start3A_50 = tpu.memref_slice %arg2[%dma_start3A_48, %dma_start3A_49] : memref<10000x128xf32, #tpu.memory_space<hbm>> -> memref<10000x128xf32, #tpu.memory_space<hbm>>
    tpu.enqueue_indirect_dma source(%dma_start3A_50 : memref<10000x128xf32, #tpu.memory_space<hbm>>) target(%arg15 : memref<88x128xf32, #tpu.memory_space<vmem>>) offsets(%arg9 : memref<88xi32, #tpu.memory_space<vmem>>) semaphore(%arg21 : memref<!tpu.dma_semaphore, #tpu.memory_space<semaphore_mem>>)
    %barrier3A = arith.constant 0 : index
    tpu.barrier barrier_id(%barrier3A)
    %scan3A = arith.constant 0 : i32
    %scan3A_51 = arith.constant 38 : i32
    %scan3A_52 = arith.addi %scan3A, %scan3A_51 : i32
    %scan3A_53 = arith.constant 1 : i32
    scf.for %scan3A_63 = %scan3A to %scan3A_52 step %scan3A_53  : i32 {
      %mul3A_64 = arith.constant 3 : i32
      %mul3A_65 = arith.muli %scan3A_63, %mul3A_64 : i32
      %add3A_66 = arith.constant 0 : i32
      %add3A_67 = arith.addi %add3A_66, %mul3A_65 : i32
      %add3A_68 = arith.constant 0 : i32
      %add3A_69 = arith.addi %add3A_67, %add3A_68 : i32
      %dma_wait3A_70 = arith.constant 0 : i32
      %dma_wait3A_71 = arith.constant 0 : i32
      %dma_wait3A_72 = tpu.memref_slice %arg2[%dma_wait3A_70, %dma_wait3A_71] : memref<10000x128xf32, #tpu.memory_space<hbm>> -> memref<10000x128xf32, #tpu.memory_space<hbm>>
      tpu.wait_indirect_dma semaphore(%arg20 : memref<!tpu.dma_semaphore, #tpu.memory_space<semaphore_mem>>) src(%dma_wait3A_72 : memref<10000x128xf32, #tpu.memory_space<hbm>>) dst(%arg14 : memref<88x128xf32, #tpu.memory_space<vmem>>)
      "tpu.region"() ({
        %run_scoped3A = tpu.sem_alloc : memref<!tpu.dma_semaphore, #tpu.memory_space<semaphore_mem>>
        %dma_start3A_122 = arith.constant 0 : i32
        %dma_start3A_123 = arith.constant 0 : i32
        %dma_start3A_124 = tpu.memref_slice %arg7[%dma_start3A_122, %dma_start3A_123] : memref<10112x128xf32, #tpu.memory_space<vmem_shared>> -> memref<10112x128xf32, #tpu.memory_space<vmem_shared>>
        tpu.enqueue_indirect_dma source(%arg14 : memref<88x128xf32, #tpu.memory_space<vmem>>) target(%dma_start3A_124 : memref<10112x128xf32, #tpu.memory_space<vmem_shared>>) offsets(%arg11 : memref<88xi32, #tpu.memory_space<vmem>>) semaphore(%run_scoped3A : memref<!tpu.dma_semaphore, #tpu.memory_space<semaphore_mem>>) {add = true}
        %dma_wait3A_125 = arith.constant 0 : i32
        %dma_wait3A_126 = arith.constant 0 : i32
        %dma_wait3A_127 = tpu.memref_slice %arg7[%dma_wait3A_125, %dma_wait3A_126] : memref<10112x128xf32, #tpu.memory_space<vmem_shared>> -> memref<10112x128xf32, #tpu.memory_space<vmem_shared>>
        tpu.wait_indirect_dma semaphore(%run_scoped3A : memref<!tpu.dma_semaphore, #tpu.memory_space<semaphore_mem>>) src(%arg14 : memref<88x128xf32, #tpu.memory_space<vmem>>) dst(%dma_wait3A_127 : memref<10112x128xf32, #tpu.memory_space<vmem_shared>>)
        tpu.yield
      }) : () -> ()
      %add3A_73 = arith.constant 3 : i32
      %add3A_74 = arith.addi %add3A_69, %add3A_73 : i32
      %lt3A = arith.constant 114 : i32
      %lt3A_75 = arith.cmpi slt, %add3A_74, %lt3A : i32
      %convert_element_type3A = arith.extui %lt3A_75 : i1 to i32
      %cond3A = arith.constant 0 : i32
      %cond3A_76 = arith.cmpi ne, %convert_element_type3A, %cond3A : i32
      scf.if %cond3A_76 {
        %add3A_122 = arith.constant 3 : i32
        %add3A_123 = arith.addi %add3A_69, %add3A_122 : i32
        %mul3A_124 = arith.constant 88 : i32
        %mul3A_125 = arith.muli %add3A_123, %mul3A_124 : i32
        %add3A_126 = arith.addi %mul3A_2, %mul3A_125 : i32
        %mul3A_127 = arith.constant 88 : i32
        %mul3A_128 = arith.muli %add3A_123, %mul3A_127 : i32
        %add3A_129 = arith.addi %mul3A_2, %mul3A_128 : i32
        %dma_start3A_130 = tpu.memref_slice %arg3[%add3A_126] : memref<321024xi32, #tpu.memory_space<hbm>> -> memref<88xi32, #tpu.memory_space<hbm>>
        %dma_start3A_131 = tpu.memref_slice %arg3[%add3A_126] : memref<321024xi32, #tpu.memory_space<hbm>> -> memref<88xi32, #tpu.memory_space<hbm>>
        tpu.enqueue_dma source(%dma_start3A_131 : memref<88xi32, #tpu.memory_space<hbm>>) target(%arg8 : memref<88xi32, #tpu.memory_space<vmem>>) target_semaphore(%arg17 : memref<!tpu.dma_semaphore, #tpu.memory_space<semaphore_mem>>)
        %dma_start3A_132 = tpu.memref_slice %arg4[%add3A_129] : memref<321024xi32, #tpu.memory_space<hbm>> -> memref<88xi32, #tpu.memory_space<hbm>>
        %dma_start3A_133 = tpu.memref_slice %arg4[%add3A_129] : memref<321024xi32, #tpu.memory_space<hbm>> -> memref<88xi32, #tpu.memory_space<hbm>>
        tpu.enqueue_dma source(%dma_start3A_133 : memref<88xi32, #tpu.memory_space<hbm>>) target(%arg11 : memref<88xi32, #tpu.memory_space<vmem>>) target_semaphore(%arg17 : memref<!tpu.dma_semaphore, #tpu.memory_space<semaphore_mem>>)
      } else {
      }
      %add3A_77 = arith.constant 2 : i32
      %add3A_78 = arith.addi %add3A_69, %add3A_77 : i32
      %lt3A_79 = arith.constant 114 : i32
      %lt3A_80 = arith.cmpi slt, %add3A_78, %lt3A_79 : i32
      %convert_element_type3A_81 = arith.extui %lt3A_80 : i1 to i32
      %cond3A_82 = arith.constant 0 : i32
      %cond3A_83 = arith.cmpi ne, %convert_element_type3A_81, %cond3A_82 : i32
      scf.if %cond3A_83 {
        %add3A_122 = arith.constant 2 : i32
        %add3A_123 = arith.addi %add3A_69, %add3A_122 : i32
        %mul3A_124 = arith.constant 88 : i32
        %mul3A_125 = arith.muli %add3A_123, %mul3A_124 : i32
        %add3A_126 = arith.addi %mul3A_2, %mul3A_125 : i32
        %mul3A_127 = arith.constant 88 : i32
        %mul3A_128 = arith.muli %add3A_123, %mul3A_127 : i32
        %add3A_129 = arith.addi %mul3A_2, %mul3A_128 : i32
        %dma_wait3A_130 = tpu.memref_slice %arg3[%add3A_126] : memref<321024xi32, #tpu.memory_space<hbm>> -> memref<88xi32, #tpu.memory_space<hbm>>
        %dma_wait3A_131 = tpu.memref_slice %arg3[%add3A_126] : memref<321024xi32, #tpu.memory_space<hbm>> -> memref<88xi32, #tpu.memory_space<hbm>>
        tpu.wait_dma2 semaphore(%arg19 : memref<!tpu.dma_semaphore, #tpu.memory_space<semaphore_mem>>) src(%dma_wait3A_131 : memref<88xi32, #tpu.memory_space<hbm>>) dst(%arg10 : memref<88xi32, #tpu.memory_space<vmem>>)
        %dma_wait3A_132 = tpu.memref_slice %arg4[%add3A_129] : memref<321024xi32, #tpu.memory_space<hbm>> -> memref<88xi32, #tpu.memory_space<hbm>>
        %dma_wait3A_133 = tpu.memref_slice %arg4[%add3A_129] : memref<321024xi32, #tpu.memory_space<hbm>> -> memref<88xi32, #tpu.memory_space<hbm>>
        tpu.wait_dma2 semaphore(%arg19 : memref<!tpu.dma_semaphore, #tpu.memory_space<semaphore_mem>>) src(%dma_wait3A_133 : memref<88xi32, #tpu.memory_space<hbm>>) dst(%arg13 : memref<88xi32, #tpu.memory_space<vmem>>)
        %dma_start3A_134 = arith.constant 0 : i32
        %dma_start3A_135 = arith.constant 0 : i32
        %dma_start3A_136 = tpu.memref_slice %arg2[%dma_start3A_134, %dma_start3A_135] : memref<10000x128xf32, #tpu.memory_space<hbm>> -> memref<10000x128xf32, #tpu.memory_space<hbm>>
        tpu.enqueue_indirect_dma source(%dma_start3A_136 : memref<10000x128xf32, #tpu.memory_space<hbm>>) target(%arg16 : memref<88x128xf32, #tpu.memory_space<vmem>>) offsets(%arg10 : memref<88xi32, #tpu.memory_space<vmem>>) semaphore(%arg22 : memref<!tpu.dma_semaphore, #tpu.memory_space<semaphore_mem>>)
      } else {
      }
      %add3A_84 = arith.constant 1 : i32
      %add3A_85 = arith.addi %add3A_67, %add3A_84 : i32
      %dma_wait3A_86 = arith.constant 0 : i32
      %dma_wait3A_87 = arith.constant 0 : i32
      %dma_wait3A_88 = tpu.memref_slice %arg2[%dma_wait3A_86, %dma_wait3A_87] : memref<10000x128xf32, #tpu.memory_space<hbm>> -> memref<10000x128xf32, #tpu.memory_space<hbm>>
      tpu.wait_indirect_dma semaphore(%arg21 : memref<!tpu.dma_semaphore, #tpu.memory_space<semaphore_mem>>) src(%dma_wait3A_88 : memref<10000x128xf32, #tpu.memory_space<hbm>>) dst(%arg15 : memref<88x128xf32, #tpu.memory_space<vmem>>)
      "tpu.region"() ({
        %run_scoped3A = tpu.sem_alloc : memref<!tpu.dma_semaphore, #tpu.memory_space<semaphore_mem>>
        %dma_start3A_122 = arith.constant 0 : i32
        %dma_start3A_123 = arith.constant 0 : i32
        %dma_start3A_124 = tpu.memref_slice %arg7[%dma_start3A_122, %dma_start3A_123] : memref<10112x128xf32, #tpu.memory_space<vmem_shared>> -> memref<10112x128xf32, #tpu.memory_space<vmem_shared>>
        tpu.enqueue_indirect_dma source(%arg15 : memref<88x128xf32, #tpu.memory_space<vmem>>) target(%dma_start3A_124 : memref<10112x128xf32, #tpu.memory_space<vmem_shared>>) offsets(%arg12 : memref<88xi32, #tpu.memory_space<vmem>>) semaphore(%run_scoped3A : memref<!tpu.dma_semaphore, #tpu.memory_space<semaphore_mem>>) {add = true}
        %dma_wait3A_125 = arith.constant 0 : i32
        %dma_wait3A_126 = arith.constant 0 : i32
        %dma_wait3A_127 = tpu.memref_slice %arg7[%dma_wait3A_125, %dma_wait3A_126] : memref<10112x128xf32, #tpu.memory_space<vmem_shared>> -> memref<10112x128xf32, #tpu.memory_space<vmem_shared>>
        tpu.wait_indirect_dma semaphore(%run_scoped3A : memref<!tpu.dma_semaphore, #tpu.memory_space<semaphore_mem>>) src(%arg15 : memref<88x128xf32, #tpu.memory_space<vmem>>) dst(%dma_wait3A_127 : memref<10112x128xf32, #tpu.memory_space<vmem_shared>>)
        tpu.yield
      }) : () -> ()
      %add3A_89 = arith.constant 3 : i32
      %add3A_90 = arith.addi %add3A_85, %add3A_89 : i32
      %lt3A_91 = arith.constant 114 : i32
      %lt3A_92 = arith.cmpi slt, %add3A_90, %lt3A_91 : i32
      %convert_element_type3A_93 = arith.extui %lt3A_92 : i1 to i32
      %cond3A_94 = arith.constant 0 : i32
      %cond3A_95 = arith.cmpi ne, %convert_element_type3A_93, %cond3A_94 : i32
      scf.if %cond3A_95 {
        %add3A_122 = arith.constant 3 : i32
        %add3A_123 = arith.addi %add3A_85, %add3A_122 : i32
        %mul3A_124 = arith.constant 88 : i32
        %mul3A_125 = arith.muli %add3A_123, %mul3A_124 : i32
        %add3A_126 = arith.addi %mul3A_2, %mul3A_125 : i32
        %mul3A_127 = arith.constant 88 : i32
        %mul3A_128 = arith.muli %add3A_123, %mul3A_127 : i32
        %add3A_129 = arith.addi %mul3A_2, %mul3A_128 : i32
        %dma_start3A_130 = tpu.memref_slice %arg3[%add3A_126] : memref<321024xi32, #tpu.memory_space<hbm>> -> memref<88xi32, #tpu.memory_space<hbm>>
        %dma_start3A_131 = tpu.memref_slice %arg3[%add3A_126] : memref<321024xi32, #tpu.memory_space<hbm>> -> memref<88xi32, #tpu.memory_space<hbm>>
        tpu.enqueue_dma source(%dma_start3A_131 : memref<88xi32, #tpu.memory_space<hbm>>) target(%arg9 : memref<88xi32, #tpu.memory_space<vmem>>) target_semaphore(%arg18 : memref<!tpu.dma_semaphore, #tpu.memory_space<semaphore_mem>>)
        %dma_start3A_132 = tpu.memref_slice %arg4[%add3A_129] : memref<321024xi32, #tpu.memory_space<hbm>> -> memref<88xi32, #tpu.memory_space<hbm>>
        %dma_start3A_133 = tpu.memref_slice %arg4[%add3A_129] : memref<321024xi32, #tpu.memory_space<hbm>> -> memref<88xi32, #tpu.memory_space<hbm>>
        tpu.enqueue_dma source(%dma_start3A_133 : memref<88xi32, #tpu.memory_space<hbm>>) target(%arg12 : memref<88xi32, #tpu.memory_space<vmem>>) target_semaphore(%arg18 : memref<!tpu.dma_semaphore, #tpu.memory_space<semaphore_mem>>)
      } else {
      }
      %add3A_96 = arith.constant 2 : i32
      %add3A_97 = arith.addi %add3A_85, %add3A_96 : i32
      %lt3A_98 = arith.constant 114 : i32
      %lt3A_99 = arith.cmpi slt, %add3A_97, %lt3A_98 : i32
      %convert_element_type3A_100 = arith.extui %lt3A_99 : i1 to i32
      %cond3A_101 = arith.constant 0 : i32
      %cond3A_102 = arith.cmpi ne, %convert_element_type3A_100, %cond3A_101 : i32
      scf.if %cond3A_102 {
        %add3A_122 = arith.constant 2 : i32
        %add3A_123 = arith.addi %add3A_85, %add3A_122 : i32
        %mul3A_124 = arith.constant 88 : i32
        %mul3A_125 = arith.muli %add3A_123, %mul3A_124 : i32
        %add3A_126 = arith.addi %mul3A_2, %mul3A_125 : i32
        %mul3A_127 = arith.constant 88 : i32
        %mul3A_128 = arith.muli %add3A_123, %mul3A_127 : i32
        %add3A_129 = arith.addi %mul3A_2, %mul3A_128 : i32
        %dma_wait3A_130 = tpu.memref_slice %arg3[%add3A_126] : memref<321024xi32, #tpu.memory_space<hbm>> -> memref<88xi32, #tpu.memory_space<hbm>>
        %dma_wait3A_131 = tpu.memref_slice %arg3[%add3A_126] : memref<321024xi32, #tpu.memory_space<hbm>> -> memref<88xi32, #tpu.memory_space<hbm>>
        tpu.wait_dma2 semaphore(%arg17 : memref<!tpu.dma_semaphore, #tpu.memory_space<semaphore_mem>>) src(%dma_wait3A_131 : memref<88xi32, #tpu.memory_space<hbm>>) dst(%arg8 : memref<88xi32, #tpu.memory_space<vmem>>)
        %dma_wait3A_132 = tpu.memref_slice %arg4[%add3A_129] : memref<321024xi32, #tpu.memory_space<hbm>> -> memref<88xi32, #tpu.memory_space<hbm>>
        %dma_wait3A_133 = tpu.memref_slice %arg4[%add3A_129] : memref<321024xi32, #tpu.memory_space<hbm>> -> memref<88xi32, #tpu.memory_space<hbm>>
        tpu.wait_dma2 semaphore(%arg17 : memref<!tpu.dma_semaphore, #tpu.memory_space<semaphore_mem>>) src(%dma_wait3A_133 : memref<88xi32, #tpu.memory_space<hbm>>) dst(%arg11 : memref<88xi32, #tpu.memory_space<vmem>>)
        %dma_start3A_134 = arith.constant 0 : i32
        %dma_start3A_135 = arith.constant 0 : i32
        %dma_start3A_136 = tpu.memref_slice %arg2[%dma_start3A_134, %dma_start3A_135] : memref<10000x128xf32, #tpu.memory_space<hbm>> -> memref<10000x128xf32, #tpu.memory_space<hbm>>
        tpu.enqueue_indirect_dma source(%dma_start3A_136 : memref<10000x128xf32, #tpu.memory_space<hbm>>) target(%arg14 : memref<88x128xf32, #tpu.memory_space<vmem>>) offsets(%arg8 : memref<88xi32, #tpu.memory_space<vmem>>) semaphore(%arg20 : memref<!tpu.dma_semaphore, #tpu.memory_space<semaphore_mem>>)
      } else {
      }
      %add3A_103 = arith.constant 2 : i32
      %add3A_104 = arith.addi %add3A_67, %add3A_103 : i32
      %dma_wait3A_105 = arith.constant 0 : i32
      %dma_wait3A_106 = arith.constant 0 : i32
      %dma_wait3A_107 = tpu.memref_slice %arg2[%dma_wait3A_105, %dma_wait3A_106] : memref<10000x128xf32, #tpu.memory_space<hbm>> -> memref<10000x128xf32, #tpu.memory_space<hbm>>
      tpu.wait_indirect_dma semaphore(%arg22 : memref<!tpu.dma_semaphore, #tpu.memory_space<semaphore_mem>>) src(%dma_wait3A_107 : memref<10000x128xf32, #tpu.memory_space<hbm>>) dst(%arg16 : memref<88x128xf32, #tpu.memory_space<vmem>>)
      "tpu.region"() ({
        %run_scoped3A = tpu.sem_alloc : memref<!tpu.dma_semaphore, #tpu.memory_space<semaphore_mem>>
        %dma_start3A_122 = arith.constant 0 : i32
        %dma_start3A_123 = arith.constant 0 : i32
        %dma_start3A_124 = tpu.memref_slice %arg7[%dma_start3A_122, %dma_start3A_123] : memref<10112x128xf32, #tpu.memory_space<vmem_shared>> -> memref<10112x128xf32, #tpu.memory_space<vmem_shared>>
        tpu.enqueue_indirect_dma source(%arg16 : memref<88x128xf32, #tpu.memory_space<vmem>>) target(%dma_start3A_124 : memref<10112x128xf32, #tpu.memory_space<vmem_shared>>) offsets(%arg13 : memref<88xi32, #tpu.memory_space<vmem>>) semaphore(%run_scoped3A : memref<!tpu.dma_semaphore, #tpu.memory_space<semaphore_mem>>) {add = true}
        %dma_wait3A_125 = arith.constant 0 : i32
        %dma_wait3A_126 = arith.constant 0 : i32
        %dma_wait3A_127 = tpu.memref_slice %arg7[%dma_wait3A_125, %dma_wait3A_126] : memref<10112x128xf32, #tpu.memory_space<vmem_shared>> -> memref<10112x128xf32, #tpu.memory_space<vmem_shared>>
        tpu.wait_indirect_dma semaphore(%run_scoped3A : memref<!tpu.dma_semaphore, #tpu.memory_space<semaphore_mem>>) src(%arg16 : memref<88x128xf32, #tpu.memory_space<vmem>>) dst(%dma_wait3A_127 : memref<10112x128xf32, #tpu.memory_space<vmem_shared>>)
        tpu.yield
      }) : () -> ()
      %add3A_108 = arith.constant 3 : i32
      %add3A_109 = arith.addi %add3A_104, %add3A_108 : i32
      %lt3A_110 = arith.constant 114 : i32
      %lt3A_111 = arith.cmpi slt, %add3A_109, %lt3A_110 : i32
      %convert_element_type3A_112 = arith.extui %lt3A_111 : i1 to i32
      %cond3A_113 = arith.constant 0 : i32
      %cond3A_114 = arith.cmpi ne, %convert_element_type3A_112, %cond3A_113 : i32
      scf.if %cond3A_114 {
        %add3A_122 = arith.constant 3 : i32
        %add3A_123 = arith.addi %add3A_104, %add3A_122 : i32
        %mul3A_124 = arith.constant 88 : i32
        %mul3A_125 = arith.muli %add3A_123, %mul3A_124 : i32
        %add3A_126 = arith.addi %mul3A_2, %mul3A_125 : i32
        %mul3A_127 = arith.constant 88 : i32
        %mul3A_128 = arith.muli %add3A_123, %mul3A_127 : i32
        %add3A_129 = arith.addi %mul3A_2, %mul3A_128 : i32
        %dma_start3A_130 = tpu.memref_slice %arg3[%add3A_126] : memref<321024xi32, #tpu.memory_space<hbm>> -> memref<88xi32, #tpu.memory_space<hbm>>
        %dma_start3A_131 = tpu.memref_slice %arg3[%add3A_126] : memref<321024xi32, #tpu.memory_space<hbm>> -> memref<88xi32, #tpu.memory_space<hbm>>
        tpu.enqueue_dma source(%dma_start3A_131 : memref<88xi32, #tpu.memory_space<hbm>>) target(%arg10 : memref<88xi32, #tpu.memory_space<vmem>>) target_semaphore(%arg19 : memref<!tpu.dma_semaphore, #tpu.memory_space<semaphore_mem>>)
        %dma_start3A_132 = tpu.memref_slice %arg4[%add3A_129] : memref<321024xi32, #tpu.memory_space<hbm>> -> memref<88xi32, #tpu.memory_space<hbm>>
        %dma_start3A_133 = tpu.memref_slice %arg4[%add3A_129] : memref<321024xi32, #tpu.memory_space<hbm>> -> memref<88xi32, #tpu.memory_space<hbm>>
        tpu.enqueue_dma source(%dma_start3A_133 : memref<88xi32, #tpu.memory_space<hbm>>) target(%arg13 : memref<88xi32, #tpu.memory_space<vmem>>) target_semaphore(%arg19 : memref<!tpu.dma_semaphore, #tpu.memory_space<semaphore_mem>>)
      } else {
      }
      %add3A_115 = arith.constant 2 : i32
      %add3A_116 = arith.addi %add3A_104, %add3A_115 : i32
      %lt3A_117 = arith.constant 114 : i32
      %lt3A_118 = arith.cmpi slt, %add3A_116, %lt3A_117 : i32
      %convert_element_type3A_119 = arith.extui %lt3A_118 : i1 to i32
      %cond3A_120 = arith.constant 0 : i32
      %cond3A_121 = arith.cmpi ne, %convert_element_type3A_119, %cond3A_120 : i32
      scf.if %cond3A_121 {
        %add3A_122 = arith.constant 2 : i32
        %add3A_123 = arith.addi %add3A_104, %add3A_122 : i32
        %mul3A_124 = arith.constant 88 : i32
        %mul3A_125 = arith.muli %add3A_123, %mul3A_124 : i32
        %add3A_126 = arith.addi %mul3A_2, %mul3A_125 : i32
        %mul3A_127 = arith.constant 88 : i32
        %mul3A_128 = arith.muli %add3A_123, %mul3A_127 : i32
        %add3A_129 = arith.addi %mul3A_2, %mul3A_128 : i32
        %dma_wait3A_130 = tpu.memref_slice %arg3[%add3A_126] : memref<321024xi32, #tpu.memory_space<hbm>> -> memref<88xi32, #tpu.memory_space<hbm>>
        %dma_wait3A_131 = tpu.memref_slice %arg3[%add3A_126] : memref<321024xi32, #tpu.memory_space<hbm>> -> memref<88xi32, #tpu.memory_space<hbm>>
        tpu.wait_dma2 semaphore(%arg18 : memref<!tpu.dma_semaphore, #tpu.memory_space<semaphore_mem>>) src(%dma_wait3A_131 : memref<88xi32, #tpu.memory_space<hbm>>) dst(%arg9 : memref<88xi32, #tpu.memory_space<vmem>>)
        %dma_wait3A_132 = tpu.memref_slice %arg4[%add3A_129] : memref<321024xi32, #tpu.memory_space<hbm>> -> memref<88xi32, #tpu.memory_space<hbm>>
        %dma_wait3A_133 = tpu.memref_slice %arg4[%add3A_129] : memref<321024xi32, #tpu.memory_space<hbm>> -> memref<88xi32, #tpu.memory_space<hbm>>
        tpu.wait_dma2 semaphore(%arg18 : memref<!tpu.dma_semaphore, #tpu.memory_space<semaphore_mem>>) src(%dma_wait3A_133 : memref<88xi32, #tpu.memory_space<hbm>>) dst(%arg12 : memref<88xi32, #tpu.memory_space<vmem>>)
        %dma_start3A_134 = arith.constant 0 : i32
        %dma_start3A_135 = arith.constant 0 : i32
        %dma_start3A_136 = tpu.memref_slice %arg2[%dma_start3A_134, %dma_start3A_135] : memref<10000x128xf32, #tpu.memory_space<hbm>> -> memref<10000x128xf32, #tpu.memory_space<hbm>>
        tpu.enqueue_indirect_dma source(%dma_start3A_136 : memref<10000x128xf32, #tpu.memory_space<hbm>>) target(%arg15 : memref<88x128xf32, #tpu.memory_space<vmem>>) offsets(%arg9 : memref<88xi32, #tpu.memory_space<vmem>>) semaphore(%arg21 : memref<!tpu.dma_semaphore, #tpu.memory_space<semaphore_mem>>)
      } else {
      }
    }
    %scan3A_54 = arith.constant 38 : i32
    %barrier3A_55 = arith.constant 0 : index
    tpu.barrier barrier_id(%barrier3A_55)
    %mul3A_56 = arith.constant 632 : i32
    %mul3A_57 = arith.muli %arg1, %mul3A_56 : i32
    %mul3A_58 = arith.constant 10112 : i32
    %mul3A_59 = arith.muli %arg0, %mul3A_58 : i32
    %mul3A_60 = arith.constant 632 : i32
    %mul3A_61 = arith.muli %arg1, %mul3A_60 : i32
    %add3A_62 = arith.addi %mul3A_59, %mul3A_61 : i32
    "tpu.region"() ({
      %run_scoped3A = tpu.sem_alloc : memref<!tpu.dma_semaphore, #tpu.memory_space<semaphore_mem>>
      %dma_start3A_63 = arith.constant 0 : i32
      %dma_start3A_64 = tpu.memref_slice %arg6[%add3A_62, %dma_start3A_63] : memref<20224x128xf32, #tpu.memory_space<hbm>> -> memref<632x128xf32, #tpu.memory_space<hbm>>
      %dma_start3A_65 = arith.constant 0 : i32
      %dma_start3A_66 = tpu.memref_slice %arg7[%mul3A_57, %dma_start3A_65] : memref<10112x128xf32, #tpu.memory_space<vmem_shared>> -> memref<632x128xf32, #tpu.memory_space<vmem_shared>>
      tpu.enqueue_dma source(%dma_start3A_66 : memref<632x128xf32, #tpu.memory_space<vmem_shared>>) target(%dma_start3A_64 : memref<632x128xf32, #tpu.memory_space<hbm>>) target_semaphore(%run_scoped3A : memref<!tpu.dma_semaphore, #tpu.memory_space<semaphore_mem>>)
      %dma_wait3A_67 = arith.constant 0 : i32
      %dma_wait3A_68 = tpu.memref_slice %arg6[%add3A_62, %dma_wait3A_67] : memref<20224x128xf32, #tpu.memory_space<hbm>> -> memref<632x128xf32, #tpu.memory_space<hbm>>
      %dma_wait3A_69 = arith.constant 0 : i32
      %dma_wait3A_70 = tpu.memref_slice %arg7[%mul3A_57, %dma_wait3A_69] : memref<10112x128xf32, #tpu.memory_space<vmem_shared>> -> memref<632x128xf32, #tpu.memory_space<vmem_shared>>
      tpu.wait_dma2 semaphore(%run_scoped3A : memref<!tpu.dma_semaphore, #tpu.memory_space<semaphore_mem>>) src(%dma_wait3A_70 : memref<632x128xf32, #tpu.memory_space<vmem_shared>>) dst(%dma_wait3A_68 : memref<632x128xf32, #tpu.memory_space<hbm>>)
      tpu.yield
    }) : () -> ()
    return
  }
}

#map = affine_map<(d0, d1) -> (0, 0)>
#map1 = affine_map<(d0, d1) -> (0)>
module attributes {stable_mosaic.version = 14 : i64} {
  func.func @_seg_sum_body(%arg0: i32, %arg1: i32, %arg2: memref<10000x128xf32, #tpu.memory_space<hbm>>, %arg3: memref<321024xi32, #tpu.memory_space<hbm>>, %arg4: memref<321024xi32, #tpu.memory_space<hbm>>, %arg5: memref<10112x128xf32, #tpu.memory_space<hbm>>, %arg6: memref<20224x128xf32, #tpu.memory_space<hbm>>, %arg7: memref<10112x128xf32, #tpu.memory_space<vmem_shared>>, %arg8: memref<88xi32, #tpu.memory_space<vmem>>, %arg9: memref<88xi32, #tpu.memory_space<vmem>>, %arg10: memref<88xi32, #tpu.memory_space<vmem>>, %arg11: memref<88xi32, #tpu.memory_space<vmem>>, %arg12: memref<88xi32, #tpu.memory_space<vmem>>, %arg13: memref<88xi32, #tpu.memory_space<vmem>>, %arg14: memref<88x128xf32, #tpu.memory_space<vmem>>, %arg15: memref<88x128xf32, #tpu.memory_space<vmem>>, %arg16: memref<88x128xf32, #tpu.memory_space<vmem>>, %arg17: memref<!tpu.dma_semaphore, #tpu.memory_space<semaphore_mem>>, %arg18: memref<!tpu.dma_semaphore, #tpu.memory_space<semaphore_mem>>, %arg19: memref<!tpu.dma_semaphore, #tpu.memory_space<semaphore_mem>>, %arg20: memref<!tpu.dma_semaphore, #tpu.memory_space<semaphore_mem>>, %arg21: memref<!tpu.dma_semaphore, #tpu.memory_space<semaphore_mem>>, %arg22: memref<!tpu.dma_semaphore, #tpu.memory_space<semaphore_mem>>) attributes {dimension_semantics = [#tpu.dimension_semantics<core_parallel>, #tpu.dimension_semantics<subcore_parallel>], iteration_bounds = array<i64: 2, 16>, scalar_prefetch = 0 : i64, scratch_operands = 16 : i64, tpu.core_type = #tpu.core_type<sc_vector_subcore>, window_params = [{transform_indices = #map}, {transform_indices = #map1}, {transform_indices = #map1}, {transform_indices = #map}, {transform_indices = #map}]} {
    %mul3A = arith.constant 16 : i32
    %mul3A_0 = arith.muli %arg0, %mul3A : i32
    %add3A = arith.addi %mul3A_0, %arg1 : i32
    %mul3A_1 = arith.constant 10032 : i32
    %mul3A_2 = arith.muli %add3A, %mul3A_1 : i32
    %add3A_3 = arith.constant 0 : i32
    %add3A_4 = arith.addi %mul3A_2, %add3A_3 : i32
    %add3A_5 = arith.constant 0 : i32
    %add3A_6 = arith.addi %mul3A_2, %add3A_5 : i32
    %dma_start3A = tpu.memref_slice %arg3[%add3A_4] : memref<321024xi32, #tpu.memory_space<hbm>> -> memref<88xi32, #tpu.memory_space<hbm>>
    %dma_start3A_7 = tpu.memref_slice %arg3[%add3A_4] : memref<321024xi32, #tpu.memory_space<hbm>> -> memref<88xi32, #tpu.memory_space<hbm>>
    tpu.enqueue_dma source(%dma_start3A_7 : memref<88xi32, #tpu.memory_space<hbm>>) target(%arg8 : memref<88xi32, #tpu.memory_space<vmem>>) target_semaphore(%arg17 : memref<!tpu.dma_semaphore, #tpu.memory_space<semaphore_mem>>)
    %dma_start3A_8 = tpu.memref_slice %arg4[%add3A_6] : memref<321024xi32, #tpu.memory_space<hbm>> -> memref<88xi32, #tpu.memory_space<hbm>>
    %dma_start3A_9 = tpu.memref_slice %arg4[%add3A_6] : memref<321024xi32, #tpu.memory_space<hbm>> -> memref<88xi32, #tpu.memory_space<hbm>>
    tpu.enqueue_dma source(%dma_start3A_9 : memref<88xi32, #tpu.memory_space<hbm>>) target(%arg11 : memref<88xi32, #tpu.memory_space<vmem>>) target_semaphore(%arg17 : memref<!tpu.dma_semaphore, #tpu.memory_space<semaphore_mem>>)
    %add3A_10 = arith.constant 88 : i32
    %add3A_11 = arith.addi %mul3A_2, %add3A_10 : i32
    %add3A_12 = arith.constant 88 : i32
    %add3A_13 = arith.addi %mul3A_2, %add3A_12 : i32
    %dma_start3A_14 = tpu.memref_slice %arg3[%add3A_11] : memref<321024xi32, #tpu.memory_space<hbm>> -> memref<88xi32, #tpu.memory_space<hbm>>
    %dma_start3A_15 = tpu.memref_slice %arg3[%add3A_11] : memref<321024xi32, #tpu.memory_space<hbm>> -> memref<88xi32, #tpu.memory_space<hbm>>
    tpu.enqueue_dma source(%dma_start3A_15 : memref<88xi32, #tpu.memory_space<hbm>>) target(%arg9 : memref<88xi32, #tpu.memory_space<vmem>>) target_semaphore(%arg18 : memref<!tpu.dma_semaphore, #tpu.memory_space<semaphore_mem>>)
    %dma_start3A_16 = tpu.memref_slice %arg4[%add3A_13] : memref<321024xi32, #tpu.memory_space<hbm>> -> memref<88xi32, #tpu.memory_space<hbm>>
    %dma_start3A_17 = tpu.memref_slice %arg4[%add3A_13] : memref<321024xi32, #tpu.memory_space<hbm>> -> memref<88xi32, #tpu.memory_space<hbm>>
    tpu.enqueue_dma source(%dma_start3A_17 : memref<88xi32, #tpu.memory_space<hbm>>) target(%arg12 : memref<88xi32, #tpu.memory_space<vmem>>) target_semaphore(%arg18 : memref<!tpu.dma_semaphore, #tpu.memory_space<semaphore_mem>>)
    %mul3A_18 = arith.constant 632 : i32
    %mul3A_19 = arith.muli %arg1, %mul3A_18 : i32
    %mul3A_20 = arith.constant 632 : i32
    %mul3A_21 = arith.muli %arg1, %mul3A_20 : i32
    "tpu.region"() ({
      %run_scoped3A = tpu.sem_alloc : memref<!tpu.dma_semaphore, #tpu.memory_space<semaphore_mem>>
      %dma_start3A_63 = arith.constant 0 : i32
      %dma_start3A_64 = tpu.memref_slice %arg7[%mul3A_21, %dma_start3A_63] : memref<10112x128xf32, #tpu.memory_space<vmem_shared>> -> memref<632x128xf32, #tpu.memory_space<vmem_shared>>
      %dma_start3A_65 = arith.constant 0 : i32
      %dma_start3A_66 = tpu.memref_slice %arg5[%mul3A_19, %dma_start3A_65] : memref<10112x128xf32, #tpu.memory_space<hbm>> -> memref<632x128xf32, #tpu.memory_space<hbm>>
      tpu.enqueue_dma source(%dma_start3A_66 : memref<632x128xf32, #tpu.memory_space<hbm>>) target(%dma_start3A_64 : memref<632x128xf32, #tpu.memory_space<vmem_shared>>) target_semaphore(%run_scoped3A : memref<!tpu.dma_semaphore, #tpu.memory_space<semaphore_mem>>)
      %dma_wait3A_67 = arith.constant 0 : i32
      %dma_wait3A_68 = tpu.memref_slice %arg7[%mul3A_21, %dma_wait3A_67] : memref<10112x128xf32, #tpu.memory_space<vmem_shared>> -> memref<632x128xf32, #tpu.memory_space<vmem_shared>>
      %dma_wait3A_69 = arith.constant 0 : i32
      %dma_wait3A_70 = tpu.memref_slice %arg5[%mul3A_19, %dma_wait3A_69] : memref<10112x128xf32, #tpu.memory_space<hbm>> -> memref<632x128xf32, #tpu.memory_space<hbm>>
      tpu.wait_dma2 semaphore(%run_scoped3A : memref<!tpu.dma_semaphore, #tpu.memory_space<semaphore_mem>>) src(%dma_wait3A_70 : memref<632x128xf32, #tpu.memory_space<hbm>>) dst(%dma_wait3A_68 : memref<632x128xf32, #tpu.memory_space<vmem_shared>>)
      tpu.yield
    }) : () -> ()
    %add3A_22 = arith.constant 0 : i32
    %add3A_23 = arith.addi %mul3A_2, %add3A_22 : i32
    %add3A_24 = arith.constant 0 : i32
    %add3A_25 = arith.addi %mul3A_2, %add3A_24 : i32
    %dma_wait3A = tpu.memref_slice %arg3[%add3A_23] : memref<321024xi32, #tpu.memory_space<hbm>> -> memref<88xi32, #tpu.memory_space<hbm>>
    %dma_wait3A_26 = tpu.memref_slice %arg3[%add3A_23] : memref<321024xi32, #tpu.memory_space<hbm>> -> memref<88xi32, #tpu.memory_space<hbm>>
    tpu.wait_dma2 semaphore(%arg17 : memref<!tpu.dma_semaphore, #tpu.memory_space<semaphore_mem>>) src(%dma_wait3A_26 : memref<88xi32, #tpu.memory_space<hbm>>) dst(%arg8 : memref<88xi32, #tpu.memory_space<vmem>>)
    %dma_wait3A_27 = tpu.memref_slice %arg4[%add3A_25] : memref<321024xi32, #tpu.memory_space<hbm>> -> memref<88xi32, #tpu.memory_space<hbm>>
    %dma_wait3A_28 = tpu.memref_slice %arg4[%add3A_25] : memref<321024xi32, #tpu.memory_space<hbm>> -> memref<88xi32, #tpu.memory_space<hbm>>
    tpu.wait_dma2 semaphore(%arg17 : memref<!tpu.dma_semaphore, #tpu.memory_space<semaphore_mem>>) src(%dma_wait3A_28 : memref<88xi32, #tpu.memory_space<hbm>>) dst(%arg11 : memref<88xi32, #tpu.memory_space<vmem>>)
    %dma_start3A_29 = arith.constant 0 : i32
    %dma_start3A_30 = arith.constant 0 : i32
    %dma_start3A_31 = tpu.memref_slice %arg2[%dma_start3A_29, %dma_start3A_30] : memref<10000x128xf32, #tpu.memory_space<hbm>> -> memref<10000x128xf32, #tpu.memory_space<hbm>>
    tpu.enqueue_indirect_dma source(%dma_start3A_31 : memref<10000x128xf32, #tpu.memory_space<hbm>>) target(%arg14 : memref<88x128xf32, #tpu.memory_space<vmem>>) offsets(%arg8 : memref<88xi32, #tpu.memory_space<vmem>>) semaphore(%arg20 : memref<!tpu.dma_semaphore, #tpu.memory_space<semaphore_mem>>)
    %add3A_32 = arith.constant 176 : i32
    %add3A_33 = arith.addi %mul3A_2, %add3A_32 : i32
    %add3A_34 = arith.constant 176 : i32
    %add3A_35 = arith.addi %mul3A_2, %add3A_34 : i32
    %dma_start3A_36 = tpu.memref_slice %arg3[%add3A_33] : memref<321024xi32, #tpu.memory_space<hbm>> -> memref<88xi32, #tpu.memory_space<hbm>>
    %dma_start3A_37 = tpu.memref_slice %arg3[%add3A_33] : memref<321024xi32, #tpu.memory_space<hbm>> -> memref<88xi32, #tpu.memory_space<hbm>>
    tpu.enqueue_dma source(%dma_start3A_37 : memref<88xi32, #tpu.memory_space<hbm>>) target(%arg10 : memref<88xi32, #tpu.memory_space<vmem>>) target_semaphore(%arg19 : memref<!tpu.dma_semaphore, #tpu.memory_space<semaphore_mem>>)
    %dma_start3A_38 = tpu.memref_slice %arg4[%add3A_35] : memref<321024xi32, #tpu.memory_space<hbm>> -> memref<88xi32, #tpu.memory_space<hbm>>
    %dma_start3A_39 = tpu.memref_slice %arg4[%add3A_35] : memref<321024xi32, #tpu.memory_space<hbm>> -> memref<88xi32, #tpu.memory_space<hbm>>
    tpu.enqueue_dma source(%dma_start3A_39 : memref<88xi32, #tpu.memory_space<hbm>>) target(%arg13 : memref<88xi32, #tpu.memory_space<vmem>>) target_semaphore(%arg19 : memref<!tpu.dma_semaphore, #tpu.memory_space<semaphore_mem>>)
    %add3A_40 = arith.constant 88 : i32
    %add3A_41 = arith.addi %mul3A_2, %add3A_40 : i32
    %add3A_42 = arith.constant 88 : i32
    %add3A_43 = arith.addi %mul3A_2, %add3A_42 : i32
    %dma_wait3A_44 = tpu.memref_slice %arg3[%add3A_41] : memref<321024xi32, #tpu.memory_space<hbm>> -> memref<88xi32, #tpu.memory_space<hbm>>
    %dma_wait3A_45 = tpu.memref_slice %arg3[%add3A_41] : memref<321024xi32, #tpu.memory_space<hbm>> -> memref<88xi32, #tpu.memory_space<hbm>>
    tpu.wait_dma2 semaphore(%arg18 : memref<!tpu.dma_semaphore, #tpu.memory_space<semaphore_mem>>) src(%dma_wait3A_45 : memref<88xi32, #tpu.memory_space<hbm>>) dst(%arg9 : memref<88xi32, #tpu.memory_space<vmem>>)
    %dma_wait3A_46 = tpu.memref_slice %arg4[%add3A_43] : memref<321024xi32, #tpu.memory_space<hbm>> -> memref<88xi32, #tpu.memory_space<hbm>>
    %dma_wait3A_47 = tpu.memref_slice %arg4[%add3A_43] : memref<321024xi32, #tpu.memory_space<hbm>> -> memref<88xi32, #tpu.memory_space<hbm>>
    tpu.wait_dma2 semaphore(%arg18 : memref<!tpu.dma_semaphore, #tpu.memory_space<semaphore_mem>>) src(%dma_wait3A_47 : memref<88xi32, #tpu.memory_space<hbm>>) dst(%arg12 : memref<88xi32, #tpu.memory_space<vmem>>)
    %dma_start3A_48 = arith.constant 0 : i32
    %dma_start3A_49 = arith.constant 0 : i32
    %dma_start3A_50 = tpu.memref_slice %arg2[%dma_start3A_48, %dma_start3A_49] : memref<10000x128xf32, #tpu.memory_space<hbm>> -> memref<10000x128xf32, #tpu.memory_space<hbm>>
    tpu.enqueue_indirect_dma source(%dma_start3A_50 : memref<10000x128xf32, #tpu.memory_space<hbm>>) target(%arg15 : memref<88x128xf32, #tpu.memory_space<vmem>>) offsets(%arg9 : memref<88xi32, #tpu.memory_space<vmem>>) semaphore(%arg21 : memref<!tpu.dma_semaphore, #tpu.memory_space<semaphore_mem>>)
    %barrier3A = arith.constant 0 : index
    tpu.barrier barrier_id(%barrier3A)
    %scan3A = arith.constant 0 : i32
    %scan3A_51 = arith.constant 38 : i32
    %scan3A_52 = arith.addi %scan3A, %scan3A_51 : i32
    %scan3A_53 = arith.constant 1 : i32
    scf.for %scan3A_63 = %scan3A to %scan3A_52 step %scan3A_53  : i32 {
      %mul3A_64 = arith.constant 3 : i32
      %mul3A_65 = arith.muli %scan3A_63, %mul3A_64 : i32
      %add3A_66 = arith.constant 0 : i32
      %add3A_67 = arith.addi %add3A_66, %mul3A_65 : i32
      %add3A_68 = arith.constant 0 : i32
      %add3A_69 = arith.addi %add3A_67, %add3A_68 : i32
      %dma_wait3A_70 = arith.constant 0 : i32
      %dma_wait3A_71 = arith.constant 0 : i32
      %dma_wait3A_72 = tpu.memref_slice %arg2[%dma_wait3A_70, %dma_wait3A_71] : memref<10000x128xf32, #tpu.memory_space<hbm>> -> memref<10000x128xf32, #tpu.memory_space<hbm>>
      tpu.wait_indirect_dma semaphore(%arg20 : memref<!tpu.dma_semaphore, #tpu.memory_space<semaphore_mem>>) src(%dma_wait3A_72 : memref<10000x128xf32, #tpu.memory_space<hbm>>) dst(%arg14 : memref<88x128xf32, #tpu.memory_space<vmem>>)
      "tpu.region"() ({
        %run_scoped3A = tpu.sem_alloc : memref<!tpu.dma_semaphore, #tpu.memory_space<semaphore_mem>>
        %dma_start3A_122 = arith.constant 0 : i32
        %dma_start3A_123 = arith.constant 0 : i32
        %dma_start3A_124 = tpu.memref_slice %arg7[%dma_start3A_122, %dma_start3A_123] : memref<10112x128xf32, #tpu.memory_space<vmem_shared>> -> memref<10112x128xf32, #tpu.memory_space<vmem_shared>>
        tpu.enqueue_indirect_dma source(%arg14 : memref<88x128xf32, #tpu.memory_space<vmem>>) target(%dma_start3A_124 : memref<10112x128xf32, #tpu.memory_space<vmem_shared>>) offsets(%arg11 : memref<88xi32, #tpu.memory_space<vmem>>) semaphore(%run_scoped3A : memref<!tpu.dma_semaphore, #tpu.memory_space<semaphore_mem>>) {add = true}
        %dma_wait3A_125 = arith.constant 0 : i32
        %dma_wait3A_126 = arith.constant 0 : i32
        %dma_wait3A_127 = tpu.memref_slice %arg7[%dma_wait3A_125, %dma_wait3A_126] : memref<10112x128xf32, #tpu.memory_space<vmem_shared>> -> memref<10112x128xf32, #tpu.memory_space<vmem_shared>>
        tpu.wait_indirect_dma semaphore(%run_scoped3A : memref<!tpu.dma_semaphore, #tpu.memory_space<semaphore_mem>>) src(%arg14 : memref<88x128xf32, #tpu.memory_space<vmem>>) dst(%dma_wait3A_127 : memref<10112x128xf32, #tpu.memory_space<vmem_shared>>)
        tpu.yield
      }) : () -> ()
      %add3A_73 = arith.constant 3 : i32
      %add3A_74 = arith.addi %add3A_69, %add3A_73 : i32
      %lt3A = arith.constant 114 : i32
      %lt3A_75 = arith.cmpi slt, %add3A_74, %lt3A : i32
      %convert_element_type3A = arith.extui %lt3A_75 : i1 to i32
      %cond3A = arith.constant 0 : i32
      %cond3A_76 = arith.cmpi ne, %convert_element_type3A, %cond3A : i32
      scf.if %cond3A_76 {
        %add3A_122 = arith.constant 3 : i32
        %add3A_123 = arith.addi %add3A_69, %add3A_122 : i32
        %mul3A_124 = arith.constant 88 : i32
        %mul3A_125 = arith.muli %add3A_123, %mul3A_124 : i32
        %add3A_126 = arith.addi %mul3A_2, %mul3A_125 : i32
        %mul3A_127 = arith.constant 88 : i32
        %mul3A_128 = arith.muli %add3A_123, %mul3A_127 : i32
        %add3A_129 = arith.addi %mul3A_2, %mul3A_128 : i32
        %dma_start3A_130 = tpu.memref_slice %arg3[%add3A_126] : memref<321024xi32, #tpu.memory_space<hbm>> -> memref<88xi32, #tpu.memory_space<hbm>>
        %dma_start3A_131 = tpu.memref_slice %arg3[%add3A_126] : memref<321024xi32, #tpu.memory_space<hbm>> -> memref<88xi32, #tpu.memory_space<hbm>>
        tpu.enqueue_dma source(%dma_start3A_131 : memref<88xi32, #tpu.memory_space<hbm>>) target(%arg8 : memref<88xi32, #tpu.memory_space<vmem>>) target_semaphore(%arg17 : memref<!tpu.dma_semaphore, #tpu.memory_space<semaphore_mem>>)
        %dma_start3A_132 = tpu.memref_slice %arg4[%add3A_129] : memref<321024xi32, #tpu.memory_space<hbm>> -> memref<88xi32, #tpu.memory_space<hbm>>
        %dma_start3A_133 = tpu.memref_slice %arg4[%add3A_129] : memref<321024xi32, #tpu.memory_space<hbm>> -> memref<88xi32, #tpu.memory_space<hbm>>
        tpu.enqueue_dma source(%dma_start3A_133 : memref<88xi32, #tpu.memory_space<hbm>>) target(%arg11 : memref<88xi32, #tpu.memory_space<vmem>>) target_semaphore(%arg17 : memref<!tpu.dma_semaphore, #tpu.memory_space<semaphore_mem>>)
      } else {
      }
      %add3A_77 = arith.constant 2 : i32
      %add3A_78 = arith.addi %add3A_69, %add3A_77 : i32
      %lt3A_79 = arith.constant 114 : i32
      %lt3A_80 = arith.cmpi slt, %add3A_78, %lt3A_79 : i32
      %convert_element_type3A_81 = arith.extui %lt3A_80 : i1 to i32
      %cond3A_82 = arith.constant 0 : i32
      %cond3A_83 = arith.cmpi ne, %convert_element_type3A_81, %cond3A_82 : i32
      scf.if %cond3A_83 {
        %add3A_122 = arith.constant 2 : i32
        %add3A_123 = arith.addi %add3A_69, %add3A_122 : i32
        %mul3A_124 = arith.constant 88 : i32
        %mul3A_125 = arith.muli %add3A_123, %mul3A_124 : i32
        %add3A_126 = arith.addi %mul3A_2, %mul3A_125 : i32
        %mul3A_127 = arith.constant 88 : i32
        %mul3A_128 = arith.muli %add3A_123, %mul3A_127 : i32
        %add3A_129 = arith.addi %mul3A_2, %mul3A_128 : i32
        %dma_wait3A_130 = tpu.memref_slice %arg3[%add3A_126] : memref<321024xi32, #tpu.memory_space<hbm>> -> memref<88xi32, #tpu.memory_space<hbm>>
        %dma_wait3A_131 = tpu.memref_slice %arg3[%add3A_126] : memref<321024xi32, #tpu.memory_space<hbm>> -> memref<88xi32, #tpu.memory_space<hbm>>
        tpu.wait_dma2 semaphore(%arg19 : memref<!tpu.dma_semaphore, #tpu.memory_space<semaphore_mem>>) src(%dma_wait3A_131 : memref<88xi32, #tpu.memory_space<hbm>>) dst(%arg10 : memref<88xi32, #tpu.memory_space<vmem>>)
        %dma_wait3A_132 = tpu.memref_slice %arg4[%add3A_129] : memref<321024xi32, #tpu.memory_space<hbm>> -> memref<88xi32, #tpu.memory_space<hbm>>
        %dma_wait3A_133 = tpu.memref_slice %arg4[%add3A_129] : memref<321024xi32, #tpu.memory_space<hbm>> -> memref<88xi32, #tpu.memory_space<hbm>>
        tpu.wait_dma2 semaphore(%arg19 : memref<!tpu.dma_semaphore, #tpu.memory_space<semaphore_mem>>) src(%dma_wait3A_133 : memref<88xi32, #tpu.memory_space<hbm>>) dst(%arg13 : memref<88xi32, #tpu.memory_space<vmem>>)
        %dma_start3A_134 = arith.constant 0 : i32
        %dma_start3A_135 = arith.constant 0 : i32
        %dma_start3A_136 = tpu.memref_slice %arg2[%dma_start3A_134, %dma_start3A_135] : memref<10000x128xf32, #tpu.memory_space<hbm>> -> memref<10000x128xf32, #tpu.memory_space<hbm>>
        tpu.enqueue_indirect_dma source(%dma_start3A_136 : memref<10000x128xf32, #tpu.memory_space<hbm>>) target(%arg16 : memref<88x128xf32, #tpu.memory_space<vmem>>) offsets(%arg10 : memref<88xi32, #tpu.memory_space<vmem>>) semaphore(%arg22 : memref<!tpu.dma_semaphore, #tpu.memory_space<semaphore_mem>>)
      } else {
      }
      %add3A_84 = arith.constant 1 : i32
      %add3A_85 = arith.addi %add3A_67, %add3A_84 : i32
      %dma_wait3A_86 = arith.constant 0 : i32
      %dma_wait3A_87 = arith.constant 0 : i32
      %dma_wait3A_88 = tpu.memref_slice %arg2[%dma_wait3A_86, %dma_wait3A_87] : memref<10000x128xf32, #tpu.memory_space<hbm>> -> memref<10000x128xf32, #tpu.memory_space<hbm>>
      tpu.wait_indirect_dma semaphore(%arg21 : memref<!tpu.dma_semaphore, #tpu.memory_space<semaphore_mem>>) src(%dma_wait3A_88 : memref<10000x128xf32, #tpu.memory_space<hbm>>) dst(%arg15 : memref<88x128xf32, #tpu.memory_space<vmem>>)
      "tpu.region"() ({
        %run_scoped3A = tpu.sem_alloc : memref<!tpu.dma_semaphore, #tpu.memory_space<semaphore_mem>>
        %dma_start3A_122 = arith.constant 0 : i32
        %dma_start3A_123 = arith.constant 0 : i32
        %dma_start3A_124 = tpu.memref_slice %arg7[%dma_start3A_122, %dma_start3A_123] : memref<10112x128xf32, #tpu.memory_space<vmem_shared>> -> memref<10112x128xf32, #tpu.memory_space<vmem_shared>>
        tpu.enqueue_indirect_dma source(%arg15 : memref<88x128xf32, #tpu.memory_space<vmem>>) target(%dma_start3A_124 : memref<10112x128xf32, #tpu.memory_space<vmem_shared>>) offsets(%arg12 : memref<88xi32, #tpu.memory_space<vmem>>) semaphore(%run_scoped3A : memref<!tpu.dma_semaphore, #tpu.memory_space<semaphore_mem>>) {add = true}
        %dma_wait3A_125 = arith.constant 0 : i32
        %dma_wait3A_126 = arith.constant 0 : i32
        %dma_wait3A_127 = tpu.memref_slice %arg7[%dma_wait3A_125, %dma_wait3A_126] : memref<10112x128xf32, #tpu.memory_space<vmem_shared>> -> memref<10112x128xf32, #tpu.memory_space<vmem_shared>>
        tpu.wait_indirect_dma semaphore(%run_scoped3A : memref<!tpu.dma_semaphore, #tpu.memory_space<semaphore_mem>>) src(%arg15 : memref<88x128xf32, #tpu.memory_space<vmem>>) dst(%dma_wait3A_127 : memref<10112x128xf32, #tpu.memory_space<vmem_shared>>)
        tpu.yield
      }) : () -> ()
      %add3A_89 = arith.constant 3 : i32
      %add3A_90 = arith.addi %add3A_85, %add3A_89 : i32
      %lt3A_91 = arith.constant 114 : i32
      %lt3A_92 = arith.cmpi slt, %add3A_90, %lt3A_91 : i32
      %convert_element_type3A_93 = arith.extui %lt3A_92 : i1 to i32
      %cond3A_94 = arith.constant 0 : i32
      %cond3A_95 = arith.cmpi ne, %convert_element_type3A_93, %cond3A_94 : i32
      scf.if %cond3A_95 {
        %add3A_122 = arith.constant 3 : i32
        %add3A_123 = arith.addi %add3A_85, %add3A_122 : i32
        %mul3A_124 = arith.constant 88 : i32
        %mul3A_125 = arith.muli %add3A_123, %mul3A_124 : i32
        %add3A_126 = arith.addi %mul3A_2, %mul3A_125 : i32
        %mul3A_127 = arith.constant 88 : i32
        %mul3A_128 = arith.muli %add3A_123, %mul3A_127 : i32
        %add3A_129 = arith.addi %mul3A_2, %mul3A_128 : i32
        %dma_start3A_130 = tpu.memref_slice %arg3[%add3A_126] : memref<321024xi32, #tpu.memory_space<hbm>> -> memref<88xi32, #tpu.memory_space<hbm>>
        %dma_start3A_131 = tpu.memref_slice %arg3[%add3A_126] : memref<321024xi32, #tpu.memory_space<hbm>> -> memref<88xi32, #tpu.memory_space<hbm>>
        tpu.enqueue_dma source(%dma_start3A_131 : memref<88xi32, #tpu.memory_space<hbm>>) target(%arg9 : memref<88xi32, #tpu.memory_space<vmem>>) target_semaphore(%arg18 : memref<!tpu.dma_semaphore, #tpu.memory_space<semaphore_mem>>)
        %dma_start3A_132 = tpu.memref_slice %arg4[%add3A_129] : memref<321024xi32, #tpu.memory_space<hbm>> -> memref<88xi32, #tpu.memory_space<hbm>>
        %dma_start3A_133 = tpu.memref_slice %arg4[%add3A_129] : memref<321024xi32, #tpu.memory_space<hbm>> -> memref<88xi32, #tpu.memory_space<hbm>>
        tpu.enqueue_dma source(%dma_start3A_133 : memref<88xi32, #tpu.memory_space<hbm>>) target(%arg12 : memref<88xi32, #tpu.memory_space<vmem>>) target_semaphore(%arg18 : memref<!tpu.dma_semaphore, #tpu.memory_space<semaphore_mem>>)
      } else {
      }
      %add3A_96 = arith.constant 2 : i32
      %add3A_97 = arith.addi %add3A_85, %add3A_96 : i32
      %lt3A_98 = arith.constant 114 : i32
      %lt3A_99 = arith.cmpi slt, %add3A_97, %lt3A_98 : i32
      %convert_element_type3A_100 = arith.extui %lt3A_99 : i1 to i32
      %cond3A_101 = arith.constant 0 : i32
      %cond3A_102 = arith.cmpi ne, %convert_element_type3A_100, %cond3A_101 : i32
      scf.if %cond3A_102 {
        %add3A_122 = arith.constant 2 : i32
        %add3A_123 = arith.addi %add3A_85, %add3A_122 : i32
        %mul3A_124 = arith.constant 88 : i32
        %mul3A_125 = arith.muli %add3A_123, %mul3A_124 : i32
        %add3A_126 = arith.addi %mul3A_2, %mul3A_125 : i32
        %mul3A_127 = arith.constant 88 : i32
        %mul3A_128 = arith.muli %add3A_123, %mul3A_127 : i32
        %add3A_129 = arith.addi %mul3A_2, %mul3A_128 : i32
        %dma_wait3A_130 = tpu.memref_slice %arg3[%add3A_126] : memref<321024xi32, #tpu.memory_space<hbm>> -> memref<88xi32, #tpu.memory_space<hbm>>
        %dma_wait3A_131 = tpu.memref_slice %arg3[%add3A_126] : memref<321024xi32, #tpu.memory_space<hbm>> -> memref<88xi32, #tpu.memory_space<hbm>>
        tpu.wait_dma2 semaphore(%arg17 : memref<!tpu.dma_semaphore, #tpu.memory_space<semaphore_mem>>) src(%dma_wait3A_131 : memref<88xi32, #tpu.memory_space<hbm>>) dst(%arg8 : memref<88xi32, #tpu.memory_space<vmem>>)
        %dma_wait3A_132 = tpu.memref_slice %arg4[%add3A_129] : memref<321024xi32, #tpu.memory_space<hbm>> -> memref<88xi32, #tpu.memory_space<hbm>>
        %dma_wait3A_133 = tpu.memref_slice %arg4[%add3A_129] : memref<321024xi32, #tpu.memory_space<hbm>> -> memref<88xi32, #tpu.memory_space<hbm>>
        tpu.wait_dma2 semaphore(%arg17 : memref<!tpu.dma_semaphore, #tpu.memory_space<semaphore_mem>>) src(%dma_wait3A_133 : memref<88xi32, #tpu.memory_space<hbm>>) dst(%arg11 : memref<88xi32, #tpu.memory_space<vmem>>)
        %dma_start3A_134 = arith.constant 0 : i32
        %dma_start3A_135 = arith.constant 0 : i32
        %dma_start3A_136 = tpu.memref_slice %arg2[%dma_start3A_134, %dma_start3A_135] : memref<10000x128xf32, #tpu.memory_space<hbm>> -> memref<10000x128xf32, #tpu.memory_space<hbm>>
        tpu.enqueue_indirect_dma source(%dma_start3A_136 : memref<10000x128xf32, #tpu.memory_space<hbm>>) target(%arg14 : memref<88x128xf32, #tpu.memory_space<vmem>>) offsets(%arg8 : memref<88xi32, #tpu.memory_space<vmem>>) semaphore(%arg20 : memref<!tpu.dma_semaphore, #tpu.memory_space<semaphore_mem>>)
      } else {
      }
      %add3A_103 = arith.constant 2 : i32
      %add3A_104 = arith.addi %add3A_67, %add3A_103 : i32
      %dma_wait3A_105 = arith.constant 0 : i32
      %dma_wait3A_106 = arith.constant 0 : i32
      %dma_wait3A_107 = tpu.memref_slice %arg2[%dma_wait3A_105, %dma_wait3A_106] : memref<10000x128xf32, #tpu.memory_space<hbm>> -> memref<10000x128xf32, #tpu.memory_space<hbm>>
      tpu.wait_indirect_dma semaphore(%arg22 : memref<!tpu.dma_semaphore, #tpu.memory_space<semaphore_mem>>) src(%dma_wait3A_107 : memref<10000x128xf32, #tpu.memory_space<hbm>>) dst(%arg16 : memref<88x128xf32, #tpu.memory_space<vmem>>)
      "tpu.region"() ({
        %run_scoped3A = tpu.sem_alloc : memref<!tpu.dma_semaphore, #tpu.memory_space<semaphore_mem>>
        %dma_start3A_122 = arith.constant 0 : i32
        %dma_start3A_123 = arith.constant 0 : i32
        %dma_start3A_124 = tpu.memref_slice %arg7[%dma_start3A_122, %dma_start3A_123] : memref<10112x128xf32, #tpu.memory_space<vmem_shared>> -> memref<10112x128xf32, #tpu.memory_space<vmem_shared>>
        tpu.enqueue_indirect_dma source(%arg16 : memref<88x128xf32, #tpu.memory_space<vmem>>) target(%dma_start3A_124 : memref<10112x128xf32, #tpu.memory_space<vmem_shared>>) offsets(%arg13 : memref<88xi32, #tpu.memory_space<vmem>>) semaphore(%run_scoped3A : memref<!tpu.dma_semaphore, #tpu.memory_space<semaphore_mem>>) {add = true}
        %dma_wait3A_125 = arith.constant 0 : i32
        %dma_wait3A_126 = arith.constant 0 : i32
        %dma_wait3A_127 = tpu.memref_slice %arg7[%dma_wait3A_125, %dma_wait3A_126] : memref<10112x128xf32, #tpu.memory_space<vmem_shared>> -> memref<10112x128xf32, #tpu.memory_space<vmem_shared>>
        tpu.wait_indirect_dma semaphore(%run_scoped3A : memref<!tpu.dma_semaphore, #tpu.memory_space<semaphore_mem>>) src(%arg16 : memref<88x128xf32, #tpu.memory_space<vmem>>) dst(%dma_wait3A_127 : memref<10112x128xf32, #tpu.memory_space<vmem_shared>>)
        tpu.yield
      }) : () -> ()
      %add3A_108 = arith.constant 3 : i32
      %add3A_109 = arith.addi %add3A_104, %add3A_108 : i32
      %lt3A_110 = arith.constant 114 : i32
      %lt3A_111 = arith.cmpi slt, %add3A_109, %lt3A_110 : i32
      %convert_element_type3A_112 = arith.extui %lt3A_111 : i1 to i32
      %cond3A_113 = arith.constant 0 : i32
      %cond3A_114 = arith.cmpi ne, %convert_element_type3A_112, %cond3A_113 : i32
      scf.if %cond3A_114 {
        %add3A_122 = arith.constant 3 : i32
        %add3A_123 = arith.addi %add3A_104, %add3A_122 : i32
        %mul3A_124 = arith.constant 88 : i32
        %mul3A_125 = arith.muli %add3A_123, %mul3A_124 : i32
        %add3A_126 = arith.addi %mul3A_2, %mul3A_125 : i32
        %mul3A_127 = arith.constant 88 : i32
        %mul3A_128 = arith.muli %add3A_123, %mul3A_127 : i32
        %add3A_129 = arith.addi %mul3A_2, %mul3A_128 : i32
        %dma_start3A_130 = tpu.memref_slice %arg3[%add3A_126] : memref<321024xi32, #tpu.memory_space<hbm>> -> memref<88xi32, #tpu.memory_space<hbm>>
        %dma_start3A_131 = tpu.memref_slice %arg3[%add3A_126] : memref<321024xi32, #tpu.memory_space<hbm>> -> memref<88xi32, #tpu.memory_space<hbm>>
        tpu.enqueue_dma source(%dma_start3A_131 : memref<88xi32, #tpu.memory_space<hbm>>) target(%arg10 : memref<88xi32, #tpu.memory_space<vmem>>) target_semaphore(%arg19 : memref<!tpu.dma_semaphore, #tpu.memory_space<semaphore_mem>>)
        %dma_start3A_132 = tpu.memref_slice %arg4[%add3A_129] : memref<321024xi32, #tpu.memory_space<hbm>> -> memref<88xi32, #tpu.memory_space<hbm>>
        %dma_start3A_133 = tpu.memref_slice %arg4[%add3A_129] : memref<321024xi32, #tpu.memory_space<hbm>> -> memref<88xi32, #tpu.memory_space<hbm>>
        tpu.enqueue_dma source(%dma_start3A_133 : memref<88xi32, #tpu.memory_space<hbm>>) target(%arg13 : memref<88xi32, #tpu.memory_space<vmem>>) target_semaphore(%arg19 : memref<!tpu.dma_semaphore, #tpu.memory_space<semaphore_mem>>)
      } else {
      }
      %add3A_115 = arith.constant 2 : i32
      %add3A_116 = arith.addi %add3A_104, %add3A_115 : i32
      %lt3A_117 = arith.constant 114 : i32
      %lt3A_118 = arith.cmpi slt, %add3A_116, %lt3A_117 : i32
      %convert_element_type3A_119 = arith.extui %lt3A_118 : i1 to i32
      %cond3A_120 = arith.constant 0 : i32
      %cond3A_121 = arith.cmpi ne, %convert_element_type3A_119, %cond3A_120 : i32
      scf.if %cond3A_121 {
        %add3A_122 = arith.constant 2 : i32
        %add3A_123 = arith.addi %add3A_104, %add3A_122 : i32
        %mul3A_124 = arith.constant 88 : i32
        %mul3A_125 = arith.muli %add3A_123, %mul3A_124 : i32
        %add3A_126 = arith.addi %mul3A_2, %mul3A_125 : i32
        %mul3A_127 = arith.constant 88 : i32
        %mul3A_128 = arith.muli %add3A_123, %mul3A_127 : i32
        %add3A_129 = arith.addi %mul3A_2, %mul3A_128 : i32
        %dma_wait3A_130 = tpu.memref_slice %arg3[%add3A_126] : memref<321024xi32, #tpu.memory_space<hbm>> -> memref<88xi32, #tpu.memory_space<hbm>>
        %dma_wait3A_131 = tpu.memref_slice %arg3[%add3A_126] : memref<321024xi32, #tpu.memory_space<hbm>> -> memref<88xi32, #tpu.memory_space<hbm>>
        tpu.wait_dma2 semaphore(%arg18 : memref<!tpu.dma_semaphore, #tpu.memory_space<semaphore_mem>>) src(%dma_wait3A_131 : memref<88xi32, #tpu.memory_space<hbm>>) dst(%arg9 : memref<88xi32, #tpu.memory_space<vmem>>)
        %dma_wait3A_132 = tpu.memref_slice %arg4[%add3A_129] : memref<321024xi32, #tpu.memory_space<hbm>> -> memref<88xi32, #tpu.memory_space<hbm>>
        %dma_wait3A_133 = tpu.memref_slice %arg4[%add3A_129] : memref<321024xi32, #tpu.memory_space<hbm>> -> memref<88xi32, #tpu.memory_space<hbm>>
        tpu.wait_dma2 semaphore(%arg18 : memref<!tpu.dma_semaphore, #tpu.memory_space<semaphore_mem>>) src(%dma_wait3A_133 : memref<88xi32, #tpu.memory_space<hbm>>) dst(%arg12 : memref<88xi32, #tpu.memory_space<vmem>>)
        %dma_start3A_134 = arith.constant 0 : i32
        %dma_start3A_135 = arith.constant 0 : i32
        %dma_start3A_136 = tpu.memref_slice %arg2[%dma_start3A_134, %dma_start3A_135] : memref<10000x128xf32, #tpu.memory_space<hbm>> -> memref<10000x128xf32, #tpu.memory_space<hbm>>
        tpu.enqueue_indirect_dma source(%dma_start3A_136 : memref<10000x128xf32, #tpu.memory_space<hbm>>) target(%arg15 : memref<88x128xf32, #tpu.memory_space<vmem>>) offsets(%arg9 : memref<88xi32, #tpu.memory_space<vmem>>) semaphore(%arg21 : memref<!tpu.dma_semaphore, #tpu.memory_space<semaphore_mem>>)
      } else {
      }
    }
    %scan3A_54 = arith.constant 38 : i32
    %barrier3A_55 = arith.constant 0 : index
    tpu.barrier barrier_id(%barrier3A_55)
    %mul3A_56 = arith.constant 632 : i32
    %mul3A_57 = arith.muli %arg1, %mul3A_56 : i32
    %mul3A_58 = arith.constant 10112 : i32
    %mul3A_59 = arith.muli %arg0, %mul3A_58 : i32
    %mul3A_60 = arith.constant 632 : i32
    %mul3A_61 = arith.muli %arg1, %mul3A_60 : i32
    %add3A_62 = arith.addi %mul3A_59, %mul3A_61 : i32
    "tpu.region"() ({
      %run_scoped3A = tpu.sem_alloc : memref<!tpu.dma_semaphore, #tpu.memory_space<semaphore_mem>>
      %dma_start3A_63 = arith.constant 0 : i32
      %dma_start3A_64 = tpu.memref_slice %arg6[%add3A_62, %dma_start3A_63] : memref<20224x128xf32, #tpu.memory_space<hbm>> -> memref<632x128xf32, #tpu.memory_space<hbm>>
      %dma_start3A_65 = arith.constant 0 : i32
      %dma_start3A_66 = tpu.memref_slice %arg7[%mul3A_57, %dma_start3A_65] : memref<10112x128xf32, #tpu.memory_space<vmem_shared>> -> memref<632x128xf32, #tpu.memory_space<vmem_shared>>
      tpu.enqueue_dma source(%dma_start3A_66 : memref<632x128xf32, #tpu.memory_space<vmem_shared>>) target(%dma_start3A_64 : memref<632x128xf32, #tpu.memory_space<hbm>>) target_semaphore(%run_scoped3A : memref<!tpu.dma_semaphore, #tpu.memory_space<semaphore_mem>>)
      %dma_wait3A_67 = arith.constant 0 : i32
      %dma_wait3A_68 = tpu.memref_slice %arg6[%add3A_62, %dma_wait3A_67] : memref<20224x128xf32, #tpu.memory_space<hbm>> -> memref<632x128xf32, #tpu.memory_space<hbm>>
      %dma_wait3A_69 = arith.constant 0 : i32
      %dma_wait3A_70 = tpu.memref_slice %arg7[%mul3A_57, %dma_wait3A_69] : memref<10112x128xf32, #tpu.memory_space<vmem_shared>> -> memref<632x128xf32, #tpu.memory_space<vmem_shared>>
      tpu.wait_dma2 semaphore(%run_scoped3A : memref<!tpu.dma_semaphore, #tpu.memory_space<semaphore_mem>>) src(%dma_wait3A_70 : memref<632x128xf32, #tpu.memory_space<vmem_shared>>) dst(%dma_wait3A_68 : memref<632x128xf32, #tpu.memory_space<hbm>>)
      tpu.yield
    }) : () -> ()
    return
  }
}

module attributes {stable_mosaic.version = 14 : i64} {
  func.func @_mlp_body(%arg0: i32, %arg1: memref<2000x128xf32, #tpu.memory_space<vmem>>, %arg2: memref<2000x128xf32, #tpu.memory_space<vmem>>, %arg3: memref<2000x128xf32, #tpu.memory_space<vmem>>, %arg4: memref<128x128xf32, #tpu.memory_space<vmem>>, %arg5: memref<2000x128xf32, #tpu.memory_space<vmem>>) attributes {dimension_semantics = [#tpu.dimension_semantics<arbitrary>], iteration_bounds = array<i64: 5>, scalar_prefetch = 0 : i64, scratch_operands = 0 : i64, tpu.core_type = #tpu.core_type<tc>, window_params = [{transform_indices = @transform_0, window_bounds = array<i64: 2000, 128>}, {transform_indices = @transform_1, window_bounds = array<i64: 2000, 128>}, {transform_indices = @transform_2, window_bounds = array<i64: 2000, 128>}, {pipeline_mode = #tpu.pipeline_mode<synchronous>, transform_indices = @transform_3, window_bounds = array<i64: 128, 128>}, {transform_indices = @transform_4, window_bounds = array<i64: 2000, 128>}]} {
    %get3A = arith.constant 0 : index
    %get3A_0 = arith.constant 0 : index
    %get3A_1 = vector.load %arg1[%get3A, %get3A_0] : memref<2000x128xf32, #tpu.memory_space<vmem>>, vector<2000x128xf32>
    %get3A_2 = arith.constant 0 : index
    %get3A_3 = arith.constant 0 : index
    %get3A_4 = vector.load %arg2[%get3A_2, %get3A_3] : memref<2000x128xf32, #tpu.memory_space<vmem>>, vector<2000x128xf32>
    %add3A = arith.addf %get3A_1, %get3A_4 : vector<2000x128xf32>
    %get3A_5 = arith.constant 0 : index
    %get3A_6 = arith.constant 0 : index
    %get3A_7 = vector.load %arg3[%get3A_5, %get3A_6] : memref<2000x128xf32, #tpu.memory_space<vmem>>, vector<2000x128xf32>
    %add3A_8 = arith.addf %add3A, %get3A_7 : vector<2000x128xf32>
    %get3A_9 = arith.constant 0 : index
    %get3A_10 = arith.constant 0 : index
    %get3A_11 = vector.load %arg4[%get3A_9, %get3A_10] : memref<128x128xf32, #tpu.memory_space<vmem>>, vector<128x128xf32>
    %dot_general3A = arith.constant dense<0.000000e+00> : vector<2000x128xf32>
    %dot_general3A_12 = tpu.matmul %add3A_8, %get3A_11, %dot_general3A {dimension_numbers = #tpu.dot_dimension_numbers<[1], [1], [0], [0], [0, 0, 1, 0], [], []>, transpose_lhs_hint = false} : vector<2000x128xf32>, vector<128x128xf32>, vector<2000x128xf32> -> vector<2000x128xf32>
    %max3A = arith.constant 0.000000e+00 : f32
    %max3A_13 = vector.broadcast %max3A : f32 to vector<2000x128xf32>
    %max3A_14 = arith.maximumf %dot_general3A_12, %max3A_13 : vector<2000x128xf32>
    %swap3A = arith.constant 0 : index
    %swap3A_15 = arith.constant 0 : index
    %swap3A_16 = vector.load %arg5[%swap3A, %swap3A_15] : memref<2000x128xf32, #tpu.memory_space<vmem>>, vector<2000x128xf32>
    tpu.vector_store %arg5[%swap3A, %swap3A_15], %max3A_14 {strides = array<i32>} : memref<2000x128xf32, #tpu.memory_space<vmem>>, vector<2000x128xf32>,
    return
  }
  func.func @transform_0(%arg0: i32) -> (i32, i32) {
    %c0_i32 = arith.constant 0 : i32
    %c0_i32_0 = arith.constant 0 : i32
    return %arg0, %c0_i32 : i32, i32
  }
  func.func @transform_1(%arg0: i32) -> (i32, i32) {
    %c0_i32 = arith.constant 0 : i32
    %c0_i32_0 = arith.constant 0 : i32
    return %arg0, %c0_i32 : i32, i32
  }
  func.func @transform_2(%arg0: i32) -> (i32, i32) {
    %c0_i32 = arith.constant 0 : i32
    %c0_i32_0 = arith.constant 0 : i32
    return %arg0, %c0_i32 : i32, i32
  }
  func.func @transform_3(%arg0: i32) -> (i32, i32) {
    %c0_i32 = arith.constant 0 : i32
    %c0_i32_0 = arith.constant 0 : i32
    %c0_i32_1 = arith.constant 0 : i32
    return %c0_i32, %c0_i32_0 : i32, i32
  }
  func.func @transform_4(%arg0: i32) -> (i32, i32) {
    %c0_i32 = arith.constant 0 : i32
    %c0_i32_0 = arith.constant 0 : i32
    return %arg0, %c0_i32 : i32, i32
  }
}

module attributes {stable_mosaic.version = 14 : i64} {
  func.func @_mlp_body(%arg0: i32, %arg1: memref<2000x128xf32, #tpu.memory_space<vmem>>, %arg2: memref<2000x128xf32, #tpu.memory_space<vmem>>, %arg3: memref<2000x128xf32, #tpu.memory_space<vmem>>, %arg4: memref<40x128xf32, #tpu.memory_space<vmem>>, %arg5: memref<2000x40xf32, #tpu.memory_space<vmem>>) attributes {dimension_semantics = [#tpu.dimension_semantics<arbitrary>], iteration_bounds = array<i64: 5>, scalar_prefetch = 0 : i64, scratch_operands = 0 : i64, tpu.core_type = #tpu.core_type<tc>, window_params = [{transform_indices = @transform_0, window_bounds = array<i64: 2000, 128>}, {transform_indices = @transform_1, window_bounds = array<i64: 2000, 128>}, {transform_indices = @transform_2, window_bounds = array<i64: 2000, 128>}, {pipeline_mode = #tpu.pipeline_mode<synchronous>, transform_indices = @transform_3, window_bounds = array<i64: 40, 128>}, {transform_indices = @transform_4, window_bounds = array<i64: 2000, 40>}]} {
    %get3A = arith.constant 0 : index
    %get3A_0 = arith.constant 0 : index
    %get3A_1 = vector.load %arg1[%get3A, %get3A_0] : memref<2000x128xf32, #tpu.memory_space<vmem>>, vector<2000x128xf32>
    %get3A_2 = arith.constant 0 : index
    %get3A_3 = arith.constant 0 : index
    %get3A_4 = vector.load %arg2[%get3A_2, %get3A_3] : memref<2000x128xf32, #tpu.memory_space<vmem>>, vector<2000x128xf32>
    %add3A = arith.addf %get3A_1, %get3A_4 : vector<2000x128xf32>
    %get3A_5 = arith.constant 0 : index
    %get3A_6 = arith.constant 0 : index
    %get3A_7 = vector.load %arg3[%get3A_5, %get3A_6] : memref<2000x128xf32, #tpu.memory_space<vmem>>, vector<2000x128xf32>
    %add3A_8 = arith.addf %add3A, %get3A_7 : vector<2000x128xf32>
    %get3A_9 = arith.constant 0 : index
    %get3A_10 = arith.constant 0 : index
    %get3A_11 = vector.load %arg4[%get3A_9, %get3A_10] : memref<40x128xf32, #tpu.memory_space<vmem>>, vector<40x128xf32>
    %dot_general3A = arith.constant dense<0.000000e+00> : vector<2000x40xf32>
    %dot_general3A_12 = tpu.matmul %add3A_8, %get3A_11, %dot_general3A {dimension_numbers = #tpu.dot_dimension_numbers<[1], [1], [0], [0], [0, 0, 1, 0], [], []>, transpose_lhs_hint = false} : vector<2000x128xf32>, vector<40x128xf32>, vector<2000x40xf32> -> vector<2000x40xf32>
    %swap3A = arith.constant 0 : index
    %swap3A_13 = arith.constant 0 : index
    %swap3A_14 = vector.load %arg5[%swap3A, %swap3A_13] : memref<2000x40xf32, #tpu.memory_space<vmem>>, vector<2000x40xf32>
    tpu.vector_store %arg5[%swap3A, %swap3A_13], %dot_general3A_12 {strides = array<i32>} : memref<2000x40xf32, #tpu.memory_space<vmem>>, vector<2000x40xf32>,
    return
  }
  func.func @transform_0(%arg0: i32) -> (i32, i32) {
    %c0_i32 = arith.constant 0 : i32
    %c0_i32_0 = arith.constant 0 : i32
    return %arg0, %c0_i32 : i32, i32
  }
  func.func @transform_1(%arg0: i32) -> (i32, i32) {
    %c0_i32 = arith.constant 0 : i32
    %c0_i32_0 = arith.constant 0 : i32
    return %arg0, %c0_i32 : i32, i32
  }
  func.func @transform_2(%arg0: i32) -> (i32, i32) {
    %c0_i32 = arith.constant 0 : i32
    %c0_i32_0 = arith.constant 0 : i32
    return %arg0, %c0_i32 : i32, i32
  }
  func.func @transform_3(%arg0: i32) -> (i32, i32) {
    %c0_i32 = arith.constant 0 : i32
    %c0_i32_0 = arith.constant 0 : i32
    %c0_i32_1 = arith.constant 0 : i32
    return %c0_i32, %c0_i32_0 : i32, i32
  }
  func.func @transform_4(%arg0: i32) -> (i32, i32) {
    %c0_i32 = arith.constant 0 : i32
    %c0_i32_0 = arith.constant 0 : i32
    return %arg0, %c0_i32 : i32, i32
  }
}

</mosaic_0001>

<sc_bundles>
// kernel: kernel.6.cloned.1.call-start
scs
__scs_entry_jumppad:
0x0: {  	(pc) =	sbr.rel $0x88, $3  }
0x1: {  	(tag) =	ssettag $0x0;
	lr =	simm.s32 $0x1  }
0x2: {  	[smem:$0x3F9D] =	sst lr;
	_ =	strace $0xD0000000  }
0x3: {  	_ = 	snop  }
0x4: {  	_ = 	snop  }
0x5: {  	_ = 	snop  }
0x6: {  	_ = 	snop  }
0x7: {  	_ = 	snop  }
__scs_overlays_trampoline_lowered:
0x8: {  	[smem:$0x3FAC] =	sst s0  }
0x9: {  	[smem:$0x3FAD] =	sst s1  }
0xa: {  	[smem:$0x3FAE] =	sst s2  }
0xb: {  	[smem:$0x3FAF] =	sst s3  }
0xc: {  	[smem:$0x3FB0] =	sst s4  }
0xd: {  	[smem:$0x3FB1] =	sst s5  }
0xe: {  	[smem:$0x3FB2] =	sst s6  }
0xf: {  	[smem:$0x3FB3] =	sst s7  }
0x10: {  	[smem:$0x3FB4] =	sst s8  }
0x11: {  	[smem:$0x3FB5] =	sst s9;
	s0 =	simm.s32 @!p0 $0x0  }
0x12: {  	s1 =	sld [smem:$0x3F9B];
	s0 =	simm.s32 @p0 $0x1  }
0x13: {  	[smem:$0x3FB6] =	sst s0;
	s0 =	simm.s32 @!p1 $0x0  }
0x14: {  	s2 =	sld [smem:$0x3F9A];
	s0 =	simm.s32 @p1 $0x1  }
0x15: {  	[smem:$0x3FB7] =	sst s0;
	s0 =	simm.s32 @!p2 $0x0  }
0x16: {  	s3 =	sld [smem:$0x3FDB];
	s0 =	simm.s32 @p2 $0x1  }
0x17: {  	s4 =	simm.s32 $0x1BF5;
	[smem:$0x3FB9] =	sst s0  }
0x18: {  	s0 =	sld [smem:$0x3F9C];
	_ =	swait.ge [sflag:s4], $0x0  }
0x19: {  	s7 =	sld [smem:$0x3F9D]  }
0x1a: {  	s8 =	sadd.s32 $0xFFFFE003, lr  }
0x1b: {  	s9 =	sadd.s32 $0xFFFFFEF7, lr;
	s5 =	simm.s32 $0xFFFFFFFF;
	p2 =	slt.u32 s8, $0xFFFFF086  }
0x1c: {  	p1 =	slt.u32 s9, $0xF7A;
	s5 =	simm.s32 @!p2 $0x0  }
0x1d: {  	s5 =	simm.s32 @p1 $0x1;
	p0 =	seq.s32 s7, s2  }
0x1e: {  	s7 =	smul.u32 @!p0 $0xF7A, s2;
	p2 =	seq.s32 @!p0 s5, $0x0  }
0x1f: {  	s9 =	smul.u32 $0xF7A, s1;
	s8 =	simm.s32 @!p0 $0x1BF5;
	p2 =	por !p2, p0  }
0x20: {  	[sflag:s8] =	ssyncset.s32 @!p0 $0xFFFFF086;
	s6 =	sadd.s32 @!p0 s3, s7;
	s7 =	simm.s32 @!p0 $0x108  }
0x21: {  	s3 =	sadd.s32 s3, s9;
	s6 =	sadd.s32 @!p0 $0x88, s6;
	s7 =	simm.s32 @p2 $0x1082  }
0x22: {  	[simem:s7], [sflag:s8] =	dma.local @!p0 [hbm:s6], $0xF7A  }
0x23: {  	s9 =	sor.u32 $0xD0000000, s2;
	s6 =	simm.s32 $0x108;
	_ =	swait.ge @!p0 [sflag:s8], $0x0  }
0x24: {  	s3 =	sadd.s32 $0x88, s3;
	s6 =	simm.s32 @!p1 $0x1082;
	[sflag:s4] =	ssyncset.s32 $0xFFFFF086  }
0x25: {  	[simem:s6], [sflag:s4] =	dma.local [hbm:s3], $0xF7A  }
0x26: {  	[smem:$0x3F9D] =	sst s1;
	(tag) =	ssettag s2;
	_ =	strace s9  }
0x27: {  	s1 =	sld [smem:$0x3FAD]  }
0x28: {  	s2 =	sld [smem:$0x3FAE]  }
0x29: {  	s4 =	sld [smem:$0x3FB0]  }
0x2a: {  	p0 =	seq.s32 s5, $0x0;
	s5 =	sld [smem:$0x3FB1]  }
0x2b: {  	s6 =	sld [smem:$0x3FB2]  }
0x2c: {  	s7 =	sld [smem:$0x3FB3]  }
0x2d: {  	s3 =	simm.s32 $0x108;
	s8 =	sld [smem:$0x3FB4]  }
0x2e: {  	s3 =	simm.s32 @!p0 $0x1082;
	s9 =	sld [smem:$0x3FB5]  }
0x2f: {  	lr =	sadd.s32 s0, s3;
	s0 =	sld [smem:$0x3FAC]  }
0x30: {  	s3 =	sld [smem:$0x3FAF]  }
0x31: {  	[smem:$0x3FB8] =	sst s10  }
0x32: {  	s10 =	sld [smem:$0x3FB6];
	_ =	sdelay $0x3  }
0x33: {  	p0 =	seq.s32 s10, $0x1;
	s10 =	sld [smem:$0x3FB8];
	_ =	sdelay $0x3  }
0x34: {  	[smem:$0x3FB8] =	sst s10  }
0x35: {  	s10 =	sld [smem:$0x3FB7];
	_ =	sdelay $0x3  }
0x36: {  	p1 =	seq.s32 s10, $0x1;
	s10 =	sld [smem:$0x3FB8];
	_ =	sdelay $0x3  }
0x37: {  	[smem:$0x3FB8] =	sst s10  }
0x38: {  	s10 =	sld [smem:$0x3FB9]  }
0x39: {  	_ = 	snop;
	(pc) =	sbr.ind lr, $3  }
0x3a: {  	_ = 	snop  }
0x3b: {  	_ = 	snop  }
0x3c: {  	p2 =	seq.s32 s10, $0x1;
	s10 =	sld [smem:$0x3FB8]  }
0x3d: {  	_ =	shalt  }
0x3e: {  	_ =	shalt  }
0x3f: {  	_ =	shalt  }
0x40: {  	_ =	shalt  }
0x41: {  	_ =	shalt  }
0x42: {  	_ =	shalt  }
0x43: {  	_ =	shalt  }
0x44: {  	_ =	shalt  }
0x45: {  	_ =	shalt  }
0x46: {  	_ =	shalt  }
0x47: {  	_ =	shalt  }
0x48: {  	_ =	shalt  }
0x49: {  	_ =	shalt  }
0x4a: {  	_ =	shalt  }
0x4b: {  	_ =	shalt  }
0x4c: {  	_ =	shalt  }
0x4d: {  	_ =	shalt  }
0x4e: {  	_ =	shalt  }
0x4f: {  	_ =	shalt  }
0x50: {  	_ =	shalt  }
0x51: {  	_ =	shalt  }
0x52: {  	_ =	shalt  }
0x53: {  	_ =	shalt  }
0x54: {  	_ =	shalt  }
0x55: {  	_ =	shalt  }
0x56: {  	_ =	shalt  }
0x57: {  	_ =	shalt  }
0x58: {  	_ =	shalt  }
0x59: {  	_ =	shalt  }
0x5a: {  	_ =	shalt  }
0x5b: {  	_ =	shalt  }
0x5c: {  	_ =	shalt  }
0x5d: {  	_ =	shalt  }
0x5e: {  	_ =	shalt  }
0x5f: {  	_ =	shalt  }
0x60: {  	_ =	shalt  }
0x61: {  	_ =	shalt  }
0x62: {  	_ =	shalt  }
0x63: {  	_ =	shalt  }
0x64: {  	_ =	shalt  }
0x65: {  	_ =	shalt  }
0x66: {  	_ =	shalt  }
0x67: {  	_ =	shalt  }
0x68: {  	_ =	shalt  }
0x69: {  	_ =	shalt  }
0x6a: {  	_ =	shalt  }
0x6b: {  	_ =	shalt  }
0x6c: {  	_ =	shalt  }
0x6d: {  	_ =	shalt  }
0x6e: {  	_ =	shalt  }
0x6f: {  	_ =	shalt  }
0x70: {  	_ =	shalt  }
0x71: {  	_ =	shalt  }
0x72: {  	_ =	shalt  }
0x73: {  	_ =	shalt  }
0x74: {  	_ =	shalt  }
0x75: {  	_ =	shalt  }
0x76: {  	_ =	shalt  }
0x77: {  	_ =	shalt  }
0x78: {  	_ =	shalt  }
0x79: {  	_ =	shalt  }
0x7a: {  	_ =	shalt  }
0x7b: {  	_ =	shalt  }
0x7c: {  	_ =	shalt  }
0x7d: {  	_ =	shalt  }
0x7e: {  	_ =	shalt  }
0x7f: {  	_ =	shalt  }
0x80: {  	_ =	shalt  }
0x81: {  	_ =	shalt  }
0x82: {  	_ =	shalt  }
0x83: {  	_ =	shalt  }
0x84: {  	_ =	shalt  }
0x85: {  	_ =	shalt  }
0x86: {  	_ =	shalt  }
0x87: {  	_ =	shalt  }
.Lfunc_end0:
.L_simem_size_0:
called_computation_lowered:
.L_overlay_start_0:
0x88: {  	s2 =	sld [smem:$0x3FD9]  }
0x89: {  	s3 =	sld [smem:$0x3FFE];
	_ =	sdelay $0x1  }
0x8a: {  	s1 =	srdreg.scid  }
0x8b: {  	s0 =	sand.u32 $0x1, s1  }
0x8c: {  	s17 =	sshll.u32 s0, $0xA;
	s2 =	sadd.s32 s3, s2  }
0x8d: {  	s2 =	sadd.s32 s2, s17  }
0x8e: {  	[smem:$0x3FC4] =	sst s2  }
0x8f: {  	_ = 	snop  }
0x90: {  	s2 =	sld [smem:$0x3FC9]  }
0x91: {  	s18 =	sld [smem:$0x3FD0];
	(tm) =	ssettm $0x1  }
0x92: {  	s4 =	sld [smem:$0x3FFB];
	_ =	sdelay $0x3  }
0x93: {  	_ =	strace s4  }
0x94: {  	s4 =	sld [smem:$0x3FFC];
	_ =	sdelay $0x3  }
0x95: {  	_ =	strace s4  }
0x96: {  	s4 =	sld [smem:$0x3FFD];
	_ =	sdelay $0x3  }
0x97: {  	_ =	strace s4  }
0x98: {  	_ =	strace $0x8FFFFFFF  }
0x99: {  	s19 =	sld [smem:$0x3FDB];
	_ =	sdelay $0x1  }
0x9a: {  	s5 =	simm.s32 $_scs_section_size  }
0x9b: {  	s6 =	simm.s32 $_size__tile_overlayer_lowered;
	s7 =	simm.s32 $_tile_overlayer_lowered  }
0x9c: {  	s22 =	simm.s32 $0x1BFF;
	s21 =	sshll.u32 s7, $0x1;
	s4 =	sadd.s32 s5, s19  }
0x9d: {  	s8 =	simm.s32 $0x0;
	s20 =	sshll.u32 s6, $0x1;
	s6 =	sadd.s32 s21, s4  }
0x9e: {  	[timem:s8], [sflag:s22] =	dma.local [hbm:s6], s20  }
0x9f: {  	_ =	swait.ge [sflag:s22], s20  }
0xa0: {  	s5 =	ssub.s32 $0x0, s20;
	[sflag:s22] =	ssyncset.done $0x0  }
0xa1: {  	[sflag:s22] =	ssyncadd.s32 s5;
	_ =	sdelay $0x1  }
0xa2: {  	s23 =	simm.s32 $0x1B8B  }
0xa3: {  	_ =	swait.ge [sflag:s23], $0x1  }
0xa4: {  	[sflag:s23] =	ssyncset.done $0x0  }
0xa5: {  	s25 =	simm.s32 $0x1B8E;
	s24 =	sld [smem:$0x3FFE];
	[sflag:s23] =	ssyncadd.s32 $0xFFFFFFFF  }
0xa6: {  	s26 =	simm.s32 $execute0_lowered;
	[smem:$0x3FD2] =	sst s25  }
0xa7: {  	s6 =	sshll.u32 s26, $0x1;
	_ =	strace $0x80000046;
	[dreg:$0x1] =	wrdreg $0xFFFFFFFF  }
0xa8: {  	s28 =	simm.s32 $_size_execute0_lowered;
	s4 =	sadd.s32 s4, s6;
	[dreg:$0x0] =	wrdreg $0x0  }
0xa9: {  	s6 =	sshll.u32 s28, $0x1;
	[dreg:$0x2] =	wrdreg s4  }
0xaa: {  	[dreg:$0x3] =	wrdreg s6  }
0xab: {  	[dreg:$0x4] =	wrdreg $0xC0  }
0xac: {  	_ =	task [dreg:s8], $0x5FFFF  }
0xad: {  	[dreg:$0x1] =	wrdreg $0xFFFFFFFF  }
0xae: {  	[dreg:$0x0] =	wrdreg $0x60  }
0xaf: {  	[dreg:$0x2] =	wrdreg s2  }
0xb0: {  	[dreg:$0x3] =	wrdreg s18  }
0xb1: {  	[dreg:$0x4] =	wrdreg s24  }
0xb2: {  	[dreg:$0x5] =	wrdreg $0x0  }
0xb3: {  	[dreg:$0x6] =	wrdreg $0x9  }
0xb4: {  	_ =	task.clear_ibuf [dreg:s8], $0x7FFFF;
	_ =	strace $0x90000046  }
0xb5: {  	s29 =	simm.s32 $0x9;
	_ =	strace $0x80000048  }
0xb6: {  	_ =	swait.ge [sflag:s29], $0x1  }
0xb7: {  	[sflag:s29] =	ssyncadd.s32 $0xFFFFFFFF  }
0xb8: {  	_ =	strace $0x90000048  }
0xb9: {  	_ =	sfence  }
0xba: {  	s30 =	sld [smem:$0x0];
	_ =	sdelay $0x2  }
0xbb: {  	s31 =	sshll.u32 s1, $0xD;
	s1 =	sshrl.u32 s1, $0x2  }
0xbc: {  	s3 =	sand.u32 $0x4000, s31;
	s1 =	sadd.s32 s1, s30  }
0xbd: {  	s0 =	sor.u32 s3, s0;
	s1 =	sshll.u32 s1, $0x11  }
0xbe: {  	s0 =	sor.u32 s1, s0  }
0xbf: {  	s0 =	sadd.s32 $0x8F2B, s0  }
0xc0: {  	[sflag:s0] =	ssyncadd.remote.s32 $0x1  }
0xc1: {  	_ =	sfence.sel $0xFFFF  }
0xc2: {  	[dreg:$0x0] =	wrdreg $0xFFFFFFFF;
	(pc) =	sbr.abs _section_cstart, $3  }
0xc3: {  	[dreg:$0x1] =	wrdreg $0xFFFFFFFF  }
0xc4: {  	_ =	task.clear_ibuf [dreg:s8], $0x2FFFF;
	_ =	strace $0x9FFFFFFF  }
0xc5: {  	(tm) =	ssettm $0x7FFFFFFF  }
tec
execute0_lowered:
.L_overlay_start_1:
0x0: {  	(tag) =	ssettag $0x1  }
0x1: {  	s1 =	rddreg [dreg:$0x0]  }
0x2: {  	s2 =	rddreg [dreg:$0x1]  }
0x3: {  	s0 =	rddreg [dreg:$0x2]  }
0x4: {  	s4 =	rddreg [dreg:$0x3];
	s5 =	simm.s32 $0x0  }
0x5: {  	s12 =	stileid.u32;
	s3 =	srdreg.scid;
	s28 =	simm.s32 $0x7  }
0x6: {  	s29 =	simm.s32 $0x1;
	s30 =	simm.s32 $0x58;
	s7 =	smul.u32 $0x2780, s12  }
0x7: {  	s31 =	simm.s32 $0x13F00;
	[smem:$0x7FF] =	sst s5;
	s14 =	smul.u32 $0x4F000, s12  }
0x8: {  	s3 =	sand.u32 $0x1, s3;
	s6 =	sadd.s32 $0x1400, s0;
	s18 =	smul.u32 $0x2730, s12  }
0x9: {  	s19 =	sshll.u32 s12, $0x6;
	_ =	strace $0x80000047;
	s8 =	smul.u32 $0x27800, s3  }
0xa: {  	s9 =	sshll.u32 s3, $0x4;
	s10 =	ssub.s32 $0x2, s3;
	s3 =	smul.u32 $0x27300, s3  }
0xb: {  	s9 =	sor.u32 s12, s9;
	s11 =	sshrl.u32 s10, $0x1;
	s12 =	simm.s32 $0x5  }
0xc: {  	s8 =	sadd.s32 s7, s8;
	s9 =	smul.u32 $0x2730, s9;
	s7 =	sadd.s32 s7, s0  }
0xd: {  	s25 =	ssub.s32 s10, s11;
	s11 =	sshrl.u32 s14, $0x2;
	s3 =	sadd.s32 s18, s3  }
0xe: {  	s14 =	simm.s32 $0x6;
	s0 =	sadd.s32 s8, s0;
	s17 =	sadd.s32 s11, s4  }
0xf: {  	s7 =	sadd.s32 $0xB200, s7;
	s22 =	sadd.s32 $0x1B8, s3;
	s23 =	smax.u32 s25, $0x1  }
0x10: {  	s24 =	sadd.s32 $0x160, s3;
	s8 =	simm.s32 $0x16B00;
	[dreg:$0x9] =	wrdreg s17  }
0x11: {  	s11 =	simm.s32 $0x19700;
	s26 =	sshrl.u32 s9, $0x3;
	[dreg:$0xa] =	wrdreg s7  }
0x12: {  	s9 =	sadd.s32 $0x58, s9;
	s0 =	sadd.s32 $0x32A00, s0;
	[dreg:$0xf] =	wrdreg s23  }
0x13: {  	s25 =	sshrl.u32 s24, $0x3;
	s23 =	simm.s32 $0x13C00;
	s24 =	simm.s32 $0x13D80  }
0x14: {  	s7 =	simm.s32 $0x2;
	s13 =	sadd.s32 s2, s26;
	s15 =	sadd.s32 s6, s26  }
0x15: {  	s9 =	sshrl.u32 s9, $0x3;
	s10 =	sadd.s32 $0x16, s26;
	[dreg:$0xe] =	wrdreg s0  }
0x16: {  	s0 =	sshrl.u32 s22, $0x3;
	s26 =	sadd.s32 $0x108, s3;
	[dreg:$0x5] =	wrdreg s13  }
0x17: {  	s3 =	simm.s32 $0x13E80;
	[dreg:$0x6] =	wrdreg s15;
	s16 =	sadd.s32 s2, s9  }
0x18: {  	s9 =	sadd.s32 s6, s9;
	s13 =	sor.u32 $0x1C07, s19;
	s20 =	sadd.s32 s2, s10  }
0x19: {  	s21 =	sadd.s32 s6, s10;
	s18 =	sadd.s32 s0, s6;
	[dreg:$0x10] =	wrdreg s26  }
.Ltmp0:
0x1a: {  	s19 =	sadd.s32 s0, s2;
	[dreg:$0x7] =	wrdreg s16;
	(pc) =	sbr.rel .LBB2_1-.Ltmp0, $4  }
0x1b: {  	s26 =	simm.s32 $0x13E00;
	s0 =	simm.s32 $0x13D00;
	[dreg:$0x8] =	wrdreg s9  }
0x1c: {  	s10 =	simm.s32 $0x3;
	s15 =	simm.s32 $0x0;
	[dreg:$0xc] =	wrdreg s20  }
0x1d: {  	[dreg:$0xd] =	wrdreg s21;
	s20 =	sadd.s32 s25, s6;
	s21 =	sadd.s32 s25, s2  }
0x1e: {  	s25 =	simm.s32 $0x13C80;
	s9 =	simm.s32 $0x4;
	[dreg:$0xb] =	wrdreg s13  }
.LBB2_4:
0x1f: {  	_ =	swait.ge [sflag:s14], $0x2C00  }
0x20: {  	[sflag:s14] =	ssyncset.done $0x0  }
0x21: {  	[sflag:s14] =	ssyncadd.s32 $0xFFFFD400  }
0x22: {  	[spmem:s4] =	stream.indirect.scatter.add.f32 [tilespmem:s11], [sflag:$0x7], $0x80, s3, s30, $0xb8;
	[tilespmem:$0x1C300] =	vst v63  }
0x23: {  	_ =	swait.ge [sflag:s28], $0x2C00  }
0x24: {  	[sflag:s28] =	ssyncset.done $0x0  }
0x25: {  	[sflag:s28] =	ssyncadd.s32 $0xFFFFD400  }
0x26: {  	[bflag:$0x0] =	sbarrier.arrive $0xFFFF  }
0x27: {  	s13 =	rddreg [dreg:$0xb]  }
0x28: {  	s2 =	rddreg [dreg:$0xe]  }
0x29: {  	s15 =	rddreg [dreg:$0x12]  }
0x2a: {  	[hbm:s2], [sflag:s13] =	dma.local [spmem:s15], $0x2780  }
0x2b: {  	_ =	swait.ge [sflag:s28], $0x2780  }
0x2c: {  	s17 =	rddreg [dreg:$0x11]  }
0x2d: {  	s22 =	rddreg [dreg:$0xf];
	s15 =	sadd.s32 $0x1, s17  }
0x2e: {  	p0 =	sne.s32 s15, s22  }
.Ltmp1:
0x2f: {  	_ = 	snop;
	(pc) =	sbr.rel @!p0 .LBB2_5-.Ltmp1, $3  }
0x30: {  	_ =	sdelay $0x1  }
0x31: {  	[sflag:s28] =	ssyncset.done $0x0  }
0x32: {  	[sflag:s28] =	ssyncadd.s32 $0xFFFFD880  }
.LBB2_1:
0x33: {  	[dreg:$0x11] =	wrdreg s15  }
0x34: {  	s2 =	rddreg [dreg:$0x5]  }
0x35: {  	s15 =	rddreg [dreg:$0x6]  }
0x36: {  	s16 =	rddreg [dreg:$0x7]  }
0x37: {  	s22 =	rddreg [dreg:$0x9]  }
0x38: {  	[tilespmem:s23], [sflag:$0x1] =	stream.linear.gather [hbm4b:s2+s5], $0x58, $0x38;
	[tilespmem:$0x1C300] =	vst v63  }
0x39: {  	s17 =	rddreg [dreg:$0x8];
	s2 =	sshrl.u32 s22, $0x3  }
0x3a: {  	[tilespmem:s24], [sflag:$0x1] =	stream.linear.gather [hbm4b:s15+s5], $0x58, $0x38;
	[tilespmem:$0x1C300] =	vst v63  }
0x3b: {  	[dreg:$0x12] =	wrdreg s2  }
0x3c: {  	[tilespmem:s25], [sflag:$0x2] =	stream.linear.gather [hbm4b:s16+s5], $0x58, $0x38;
	[tilespmem:$0x1C300] =	vst v63  }
0x3d: {  	s16 =	rddreg [dreg:$0xa]  }
0x3e: {  	[tilespmem:s26], [sflag:$0x2] =	stream.linear.gather [hbm4b:s17+s5], $0x58, $0x38;
	[tilespmem:$0x1C300] =	vst v63  }
0x3f: {  	[spmem:s2], [sflag:s13] =	dma.local [hbm:s16], $0x2780  }
0x40: {  	_ =	swait.ge [sflag:s28], $0x2780  }
0x41: {  	[sflag:s28] =	ssyncset.done $0x0  }
0x42: {  	[sflag:s28] =	ssyncadd.s32 $0xFFFFD880  }
0x43: {  	_ =	swait.ge [sflag:s29], $0x58  }
0x44: {  	[sflag:s29] =	ssyncset.done $0x0  }
0x45: {  	[sflag:s29] =	ssyncadd.s32 $0xFFFFFFA8  }
0x46: {  	_ =	swait.ge [sflag:s29], $0x58  }
0x47: {  	[sflag:s29] =	ssyncset.done $0x0  }
0x48: {  	[sflag:s29] =	ssyncadd.s32 $0xFFFFFFA8  }
0x49: {  	[tilespmem:s31], [sflag:$0x4] =	stream.indirect.gather [hbm4b:s1+s30], $0x80, s23, s30, $0xb8;
	[tilespmem:$0x1C300] =	vst v63  }
0x4a: {  	s17 =	rddreg [dreg:$0xc]  }
0x4b: {  	[tilespmem:s0], [sflag:$0x3] =	stream.linear.gather [hbm4b:s17+s5], $0x58, $0x38;
	[tilespmem:$0x1C300] =	vst v63  }
0x4c: {  	s22 =	rddreg [dreg:$0xd]  }
0x4d: {  	[tilespmem:s3], [sflag:$0x3] =	stream.linear.gather [hbm4b:s22+s5], $0x58, $0x38;
	[tilespmem:$0x1C300] =	vst v63  }
0x4e: {  	_ =	swait.ge [sflag:s7], $0x58  }
0x4f: {  	[sflag:s7] =	ssyncset.done $0x0  }
0x50: {  	[sflag:s7] =	ssyncadd.s32 $0xFFFFFFA8  }
0x51: {  	_ =	swait.ge [sflag:s7], $0x58  }
0x52: {  	[sflag:s7] =	ssyncset.done $0x0  }
0x53: {  	[sflag:s7] =	ssyncadd.s32 $0xFFFFFFA8  }
0x54: {  	[tilespmem:s8], [sflag:$0x5] =	stream.indirect.gather [hbm4b:s1+s30], $0x80, s25, s30, $0xb8;
	[tilespmem:$0x1C300] =	vst v63  }
0x55: {  	[bflag:$0x0] =	sbarrier.arrive $0xFFFF  }
0x56: {  	s17 =	simm.s32 $0x0;
	s22 =	rddreg [dreg:$0x10]  }
.LBB2_2:
0x57: {  	_ =	swait.ge [sflag:s9], $0x2C00  }
0x58: {  	[sflag:s9] =	ssyncset.done $0x0  }
0x59: {  	[sflag:s9] =	ssyncadd.s32 $0xFFFFD400  }
0x5a: {  	[spmem:s4] =	stream.indirect.scatter.add.f32 [tilespmem:s31], [sflag:$0x7], $0x80, s24, s30, $0xb8;
	[tilespmem:$0x1C300] =	vst v63  }
0x5b: {  	_ =	swait.ge [sflag:s28], $0x2C00  }
0x5c: {  	[sflag:s28] =	ssyncset.done $0x0  }
0x5d: {  	p0 =	seq.s32 s17, $0x4C5;
	[sflag:s28] =	ssyncadd.s32 $0xFFFFD400  }
0x5e: {  	s13 =	sshrl.u32 @!p0 s22, $0x3;
	s2 =	rddreg [dreg:$0x1]  }
0x5f: {  	s15 =	simm.s32 @!p0 $0x0;
	s16 =	sadd.s32 @!p0 s2, s13;
	s2 =	simm.s32 @!p0 $0x13C00  }
0x60: {  	[tilespmem:s2], [sflag:$0x1] =	stream.linear.gather @!p0 [hbm4b:s16+s15], $0x58, $0x38;
	[tilespmem:$0x1C300] =	vst v63  }
0x61: {  	s2 =	sadd.s32 @!p0 s6, s13;
	s13 =	simm.s32 @!p0 $0x13D80  }
0x62: {  	[tilespmem:s13], [sflag:$0x1] =	stream.linear.gather @!p0 [hbm4b:s2+s15], $0x58, $0x38;
	[tilespmem:$0x1C300] =	vst v63  }
0x63: {  	_ =	swait.ge [sflag:s10], $0x58  }
0x64: {  	[sflag:s10] =	ssyncset.done $0x0  }
0x65: {  	[sflag:s10] =	ssyncadd.s32 $0xFFFFFFA8  }
0x66: {  	_ =	swait.ge [sflag:s10], $0x58  }
0x67: {  	[sflag:s10] =	ssyncset.done $0x0  }
0x68: {  	[sflag:s10] =	ssyncadd.s32 $0xFFFFFFA8  }
0x69: {  	[tilespmem:s11], [sflag:$0x6] =	stream.indirect.gather [hbm4b:s1+s30], $0x80, s0, s30, $0xb8;
	[tilespmem:$0x1C300] =	vst v63  }
0x6a: {  	_ =	swait.ge [sflag:s12], $0x2C00  }
0x6b: {  	[sflag:s12] =	ssyncset.done $0x0  }
.Ltmp2:
0x6c: {  	[sflag:s12] =	ssyncadd.s32 $0xFFFFD400;
	(pc) =	sbr.rel @p0 .LBB2_4-.Ltmp2, $4  }
0x6d: {  	[spmem:s4] =	stream.indirect.scatter.add.f32 [tilespmem:s8], [sflag:$0x7], $0x80, s26, s30, $0xb8;
	[tilespmem:$0x1C300] =	vst v63  }
0x6e: {  	_ =	swait.ge [sflag:s28], $0x2C00  }
0x6f: {  	[sflag:s28] =	ssyncset.done $0x0  }
0x70: {  	[sflag:s28] =	ssyncadd.s32 $0xFFFFD400  }
0x71: {  	s2 =	sadd.s32 s17, s21  }
0x72: {  	[tilespmem:s25], [sflag:$0x2] =	stream.linear.gather [hbm4b:s2+s5], $0x58, $0x38;
	[tilespmem:$0x1C300] =	vst v63  }
0x73: {  	s13 =	sadd.s32 s17, s20  }
0x74: {  	[tilespmem:s26], [sflag:$0x2] =	stream.linear.gather [hbm4b:s13+s5], $0x58, $0x38;
	[tilespmem:$0x1C300] =	vst v63  }
0x75: {  	_ =	swait.ge [sflag:s29], $0x58  }
0x76: {  	[sflag:s29] =	ssyncset.done $0x0  }
0x77: {  	[sflag:s29] =	ssyncadd.s32 $0xFFFFFFA8  }
0x78: {  	_ =	swait.ge [sflag:s29], $0x58  }
0x79: {  	[sflag:s29] =	ssyncset.done $0x0  }
0x7a: {  	[sflag:s29] =	ssyncadd.s32 $0xFFFFFFA8  }
0x7b: {  	[tilespmem:s31], [sflag:$0x4] =	stream.indirect.gather [hbm4b:s1+s30], $0x80, s23, s30, $0xb8;
	[tilespmem:$0x1C300] =	vst v63  }
0x7c: {  	_ =	swait.ge [sflag:s14], $0x2C00  }
0x7d: {  	[sflag:s14] =	ssyncset.done $0x0  }
0x7e: {  	[sflag:s14] =	ssyncadd.s32 $0xFFFFD400  }
0x7f: {  	[spmem:s4] =	stream.indirect.scatter.add.f32 [tilespmem:s11], [sflag:$0x7], $0x80, s3, s30, $0xb8;
	[tilespmem:$0x1C300] =	vst v63  }
0x80: {  	_ =	swait.ge [sflag:s28], $0x2C00  }
0x81: {  	[sflag:s28] =	ssyncset.done $0x0  }
0x82: {  	s15 =	sadd.s32 s17, s19;
	[sflag:s28] =	ssyncadd.s32 $0xFFFFD400  }
0x83: {  	[tilespmem:s0], [sflag:$0x3] =	stream.linear.gather [hbm4b:s15+s5], $0x58, $0x38;
	[tilespmem:$0x1C300] =	vst v63  }
0x84: {  	s16 =	sadd.s32 s17, s18  }
0x85: {  	[tilespmem:s3], [sflag:$0x3] =	stream.linear.gather [hbm4b:s16+s5], $0x58, $0x38;
	[tilespmem:$0x1C300] =	vst v63  }
0x86: {  	_ =	swait.ge [sflag:s7], $0x58  }
0x87: {  	[sflag:s7] =	ssyncset.done $0x0  }
.Ltmp3:
0x88: {  	[sflag:s7] =	ssyncadd.s32 $0xFFFFFFA8;
	(pc) =	sbr.rel .LBB2_2-.Ltmp3, $4  }
0x89: {  	_ =	swait.ge [sflag:s7], $0x58  }
0x8a: {  	[sflag:s7] =	ssyncset.done $0x0  }
0x8b: {  	s17 =	sadd.s32 $0x21, s17;
	s22 =	sadd.s32 $0x108, s22;
	[sflag:s7] =	ssyncadd.s32 $0xFFFFFFA8  }
0x8c: {  	[tilespmem:s8], [sflag:$0x5] =	stream.indirect.gather [hbm4b:s1+s30], $0x80, s25, s30, $0xb8;
	[tilespmem:$0x1C300] =	vst v63  }
.LBB2_5:
0x8d: {  	_ =	sfence.sel $0x180000  }
0x8e: {  	[bflag:$0x0] =	sbarrier.arrive $0xFFFF  }
0x8f: {  	_ =	strace $0x90000047  }
0x90: {  	s0 =	stileid.u32;
	[bflag:$0x2] =	sbarrier.arrive $0xFFFF  }
0x91: {  	p0 =	sne.s32 s0, $0x0;
	s0 =	rddreg [dreg:$0x4]  }
0x92: {  	s0 =	sadd.s32 @!p0 $0x100000, s0  }
0x93: {  	[sflag:s0] =	ssyncadd.tile.s32 @!p0 $0x1;
	_ =	shalt  }
.Lfunc_end2:
_tile_overlayer_lowered:
.L_overlay_start_2:
0x94: {  	(tag) =	ssettag $0x2  }
0x95: {  	s0 =	rddreg [dreg:$0x0];
	s2 =	stileid.u32  }
0x96: {  	s1 =	rddreg [dreg:$0x1];
	p0 =	sne.s32 s2, $0x0  }
0x97: {  	s3 =	rddreg [dreg:$0x2];
	[bflag:$0x3] =	sbarrier.arrive $0xFFFF;
	s2 =	simm.s32 @!p0 $0x1C07  }
0x98: {  	[timem:s3], [sflag:s2] =	dma.local @!p0 [hbm:s0], s1  }
0x99: {  	s0 =	simm.s32 @!p0 $0x7  }
0x9a: {  	_ =	swait.ge @!p0 [sflag:s0], s1  }
0x9b: {  	s1 =	ssub.s32 @!p0 $0x0, s1;
	[sflag:s0] =	ssyncset.done @!p0 $0x0  }
0x9c: {  	[sflag:s0] =	ssyncadd.s32 @!p0 s1  }
0x9d: {  	[bflag:$0x3] =	sbarrier.arrive $0xFFFF  }
0x9e: {  	_ =	shalt  }

// kernel: kernel.9.cloned.1.call-start
scs
__scs_entry_jumppad:
0x0: {  	(pc) =	sbr.rel $0x88, $3  }
0x1: {  	(tag) =	ssettag $0x0;
	lr =	simm.s32 $0x1  }
0x2: {  	[smem:$0x3F9D] =	sst lr;
	_ =	strace $0xD0000000  }
0x3: {  	_ = 	snop  }
0x4: {  	_ = 	snop  }
0x5: {  	_ = 	snop  }
0x6: {  	_ = 	snop  }
0x7: {  	_ = 	snop  }
__scs_overlays_trampoline_lowered:
0x8: {  	[smem:$0x3FAC] =	sst s0  }
0x9: {  	[smem:$0x3FAD] =	sst s1  }
0xa: {  	[smem:$0x3FAE] =	sst s2  }
0xb: {  	[smem:$0x3FAF] =	sst s3  }
0xc: {  	[smem:$0x3FB0] =	sst s4  }
0xd: {  	[smem:$0x3FB1] =	sst s5  }
0xe: {  	[smem:$0x3FB2] =	sst s6  }
0xf: {  	[smem:$0x3FB3] =	sst s7  }
0x10: {  	[smem:$0x3FB4] =	sst s8  }
0x11: {  	[smem:$0x3FB5] =	sst s9;
	s0 =	simm.s32 @!p0 $0x0  }
0x12: {  	s1 =	sld [smem:$0x3F9B];
	s0 =	simm.s32 @p0 $0x1  }
0x13: {  	[smem:$0x3FB6] =	sst s0;
	s0 =	simm.s32 @!p1 $0x0  }
0x14: {  	s2 =	sld [smem:$0x3F9A];
	s0 =	simm.s32 @p1 $0x1  }
0x15: {  	[smem:$0x3FB7] =	sst s0;
	s0 =	simm.s32 @!p2 $0x0  }
0x16: {  	s3 =	sld [smem:$0x3FDB];
	s0 =	simm.s32 @p2 $0x1  }
0x17: {  	s4 =	simm.s32 $0x1BF5;
	[smem:$0x3FB9] =	sst s0  }
0x18: {  	s0 =	sld [smem:$0x3F9C];
	_ =	swait.ge [sflag:s4], $0x0  }
0x19: {  	s7 =	sld [smem:$0x3F9D]  }
0x1a: {  	s8 =	sadd.s32 $0xFFFFE003, lr  }
0x1b: {  	s9 =	sadd.s32 $0xFFFFFEF7, lr;
	s5 =	simm.s32 $0xFFFFFFFF;
	p2 =	slt.u32 s8, $0xFFFFF086  }
0x1c: {  	p1 =	slt.u32 s9, $0xF7A;
	s5 =	simm.s32 @!p2 $0x0  }
0x1d: {  	s5 =	simm.s32 @p1 $0x1;
	p0 =	seq.s32 s7, s2  }
0x1e: {  	s7 =	smul.u32 @!p0 $0xF7A, s2;
	p2 =	seq.s32 @!p0 s5, $0x0  }
0x1f: {  	s9 =	smul.u32 $0xF7A, s1;
	s8 =	simm.s32 @!p0 $0x1BF5;
	p2 =	por !p2, p0  }
0x20: {  	[sflag:s8] =	ssyncset.s32 @!p0 $0xFFFFF086;
	s6 =	sadd.s32 @!p0 s3, s7;
	s7 =	simm.s32 @!p0 $0x108  }
0x21: {  	s3 =	sadd.s32 s3, s9;
	s6 =	sadd.s32 @!p0 $0x88, s6;
	s7 =	simm.s32 @p2 $0x1082  }
0x22: {  	[simem:s7], [sflag:s8] =	dma.local @!p0 [hbm:s6], $0xF7A  }
0x23: {  	s9 =	sor.u32 $0xD0000000, s2;
	s6 =	simm.s32 $0x108;
	_ =	swait.ge @!p0 [sflag:s8], $0x0  }
0x24: {  	s3 =	sadd.s32 $0x88, s3;
	s6 =	simm.s32 @!p1 $0x1082;
	[sflag:s4] =	ssyncset.s32 $0xFFFFF086  }
0x25: {  	[simem:s6], [sflag:s4] =	dma.local [hbm:s3], $0xF7A  }
0x26: {  	[smem:$0x3F9D] =	sst s1;
	(tag) =	ssettag s2;
	_ =	strace s9  }
0x27: {  	s1 =	sld [smem:$0x3FAD]  }
0x28: {  	s2 =	sld [smem:$0x3FAE]  }
0x29: {  	s4 =	sld [smem:$0x3FB0]  }
0x2a: {  	p0 =	seq.s32 s5, $0x0;
	s5 =	sld [smem:$0x3FB1]  }
0x2b: {  	s6 =	sld [smem:$0x3FB2]  }
0x2c: {  	s7 =	sld [smem:$0x3FB3]  }
0x2d: {  	s3 =	simm.s32 $0x108;
	s8 =	sld [smem:$0x3FB4]  }
0x2e: {  	s3 =	simm.s32 @!p0 $0x1082;
	s9 =	sld [smem:$0x3FB5]  }
0x2f: {  	lr =	sadd.s32 s0, s3;
	s0 =	sld [smem:$0x3FAC]  }
0x30: {  	s3 =	sld [smem:$0x3FAF]  }
0x31: {  	[smem:$0x3FB8] =	sst s10  }
0x32: {  	s10 =	sld [smem:$0x3FB6];
	_ =	sdelay $0x3  }
0x33: {  	p0 =	seq.s32 s10, $0x1;
	s10 =	sld [smem:$0x3FB8];
	_ =	sdelay $0x3  }
0x34: {  	[smem:$0x3FB8] =	sst s10  }
0x35: {  	s10 =	sld [smem:$0x3FB7];
	_ =	sdelay $0x3  }
0x36: {  	p1 =	seq.s32 s10, $0x1;
	s10 =	sld [smem:$0x3FB8];
	_ =	sdelay $0x3  }
0x37: {  	[smem:$0x3FB8] =	sst s10  }
0x38: {  	s10 =	sld [smem:$0x3FB9]  }
0x39: {  	_ = 	snop;
	(pc) =	sbr.ind lr, $3  }
0x3a: {  	_ = 	snop  }
0x3b: {  	_ = 	snop  }
0x3c: {  	p2 =	seq.s32 s10, $0x1;
	s10 =	sld [smem:$0x3FB8]  }
0x3d: {  	_ =	shalt  }
0x3e: {  	_ =	shalt  }
0x3f: {  	_ =	shalt  }
0x40: {  	_ =	shalt  }
0x41: {  	_ =	shalt  }
0x42: {  	_ =	shalt  }
0x43: {  	_ =	shalt  }
0x44: {  	_ =	shalt  }
0x45: {  	_ =	shalt  }
0x46: {  	_ =	shalt  }
0x47: {  	_ =	shalt  }
0x48: {  	_ =	shalt  }
0x49: {  	_ =	shalt  }
0x4a: {  	_ =	shalt  }
0x4b: {  	_ =	shalt  }
0x4c: {  	_ =	shalt  }
0x4d: {  	_ =	shalt  }
0x4e: {  	_ =	shalt  }
0x4f: {  	_ =	shalt  }
0x50: {  	_ =	shalt  }
0x51: {  	_ =	shalt  }
0x52: {  	_ =	shalt  }
0x53: {  	_ =	shalt  }
0x54: {  	_ =	shalt  }
0x55: {  	_ =	shalt  }
0x56: {  	_ =	shalt  }
0x57: {  	_ =	shalt  }
0x58: {  	_ =	shalt  }
0x59: {  	_ =	shalt  }
0x5a: {  	_ =	shalt  }
0x5b: {  	_ =	shalt  }
0x5c: {  	_ =	shalt  }
0x5d: {  	_ =	shalt  }
0x5e: {  	_ =	shalt  }
0x5f: {  	_ =	shalt  }
0x60: {  	_ =	shalt  }
0x61: {  	_ =	shalt  }
0x62: {  	_ =	shalt  }
0x63: {  	_ =	shalt  }
0x64: {  	_ =	shalt  }
0x65: {  	_ =	shalt  }
0x66: {  	_ =	shalt  }
0x67: {  	_ =	shalt  }
0x68: {  	_ =	shalt  }
0x69: {  	_ =	shalt  }
0x6a: {  	_ =	shalt  }
0x6b: {  	_ =	shalt  }
0x6c: {  	_ =	shalt  }
0x6d: {  	_ =	shalt  }
0x6e: {  	_ =	shalt  }
0x6f: {  	_ =	shalt  }
0x70: {  	_ =	shalt  }
0x71: {  	_ =	shalt  }
0x72: {  	_ =	shalt  }
0x73: {  	_ =	shalt  }
0x74: {  	_ =	shalt  }
0x75: {  	_ =	shalt  }
0x76: {  	_ =	shalt  }
0x77: {  	_ =	shalt  }
0x78: {  	_ =	shalt  }
0x79: {  	_ =	shalt  }
0x7a: {  	_ =	shalt  }
0x7b: {  	_ =	shalt  }
0x7c: {  	_ =	shalt  }
0x7d: {  	_ =	shalt  }
0x7e: {  	_ =	shalt  }
0x7f: {  	_ =	shalt  }
0x80: {  	_ =	shalt  }
0x81: {  	_ =	shalt  }
0x82: {  	_ =	shalt  }
0x83: {  	_ =	shalt  }
0x84: {  	_ =	shalt  }
0x85: {  	_ =	shalt  }
0x86: {  	_ =	shalt  }
0x87: {  	_ =	shalt  }
.Lfunc_end0:
.L_simem_size_0:
called_computation.1_lowered:
.L_overlay_start_0:
0x88: {  	s2 =	sld [smem:$0x3FD9]  }
0x89: {  	s3 =	sld [smem:$0x3FFE];
	_ =	sdelay $0x1  }
0x8a: {  	s1 =	srdreg.scid  }
0x8b: {  	s0 =	sand.u32 $0x1, s1  }
0x8c: {  	s17 =	sshll.u32 s0, $0xA;
	s2 =	sadd.s32 s3, s2  }
0x8d: {  	s2 =	sadd.s32 s2, s17  }
0x8e: {  	[smem:$0x3FC4] =	sst s2  }
0x8f: {  	_ = 	snop  }
0x90: {  	s2 =	sld [smem:$0x3FD0];
	(tm) =	ssettm $0x1  }
0x91: {  	s18 =	sld [smem:$0x3FFB];
	_ =	sdelay $0x3  }
0x92: {  	_ =	strace s18  }
0x93: {  	s3 =	sld [smem:$0x3FFC];
	_ =	sdelay $0x3  }
0x94: {  	_ =	strace s3  }
0x95: {  	s3 =	sld [smem:$0x3FFD];
	_ =	sdelay $0x3  }
0x96: {  	_ =	strace s3  }
0x97: {  	_ =	strace $0x8FFFFFFF  }
0x98: {  	s19 =	sld [smem:$0x3FDB];
	_ =	sdelay $0x1  }
0x99: {  	s4 =	simm.s32 $_scs_section_size  }
0x9a: {  	s5 =	simm.s32 $_size__tile_overlayer_lowered;
	s6 =	simm.s32 $_tile_overlayer_lowered  }
0x9b: {  	s22 =	simm.s32 $0x1BFF;
	s21 =	sshll.u32 s6, $0x1;
	s3 =	sadd.s32 s4, s19  }
0x9c: {  	s7 =	simm.s32 $0x0;
	s20 =	sshll.u32 s5, $0x1;
	s5 =	sadd.s32 s21, s3  }
0x9d: {  	[timem:s7], [sflag:s22] =	dma.local [hbm:s5], s20  }
0x9e: {  	_ =	swait.ge [sflag:s22], s20  }
0x9f: {  	s4 =	ssub.s32 $0x0, s20;
	[sflag:s22] =	ssyncset.done $0x0  }
0xa0: {  	[sflag:s22] =	ssyncadd.s32 s4;
	_ =	sdelay $0x1  }
0xa1: {  	s23 =	simm.s32 $0x1B8B  }
0xa2: {  	_ =	swait.ge [sflag:s23], $0x1  }
0xa3: {  	[sflag:s23] =	ssyncset.done $0x0  }
0xa4: {  	s25 =	simm.s32 $0x1B8E;
	s24 =	sld [smem:$0x3FFE];
	[sflag:s23] =	ssyncadd.s32 $0xFFFFFFFF  }
0xa5: {  	s26 =	simm.s32 $execute0_lowered;
	[smem:$0x3FD2] =	sst s25  }
0xa6: {  	s5 =	sshll.u32 s26, $0x1;
	_ =	strace $0x80000049;
	[dreg:$0x1] =	wrdreg $0xFFFFFFFF  }
0xa7: {  	s28 =	simm.s32 $_size_execute0_lowered;
	s3 =	sadd.s32 s3, s5;
	[dreg:$0x0] =	wrdreg $0x0  }
0xa8: {  	s5 =	sshll.u32 s28, $0x1;
	[dreg:$0x2] =	wrdreg s3  }
0xa9: {  	[dreg:$0x3] =	wrdreg s5  }
0xaa: {  	[dreg:$0x4] =	wrdreg $0xC0  }
0xab: {  	_ =	task [dreg:s7], $0x5FFFF  }
0xac: {  	[dreg:$0x1] =	wrdreg $0xFFFFFFFF  }
0xad: {  	[dreg:$0x0] =	wrdreg $0x60  }
0xae: {  	[dreg:$0x2] =	wrdreg s24  }
0xaf: {  	[dreg:$0x3] =	wrdreg s2  }
0xb0: {  	[dreg:$0x4] =	wrdreg $0x0  }
0xb1: {  	[dreg:$0x5] =	wrdreg $0x9  }
0xb2: {  	_ =	task.clear_ibuf [dreg:s7], $0x6FFFF;
	_ =	strace $0x90000049  }
0xb3: {  	s29 =	simm.s32 $0x9;
	_ =	strace $0x8000004B  }
0xb4: {  	_ =	swait.ge [sflag:s29], $0x1  }
0xb5: {  	[sflag:s29] =	ssyncadd.s32 $0xFFFFFFFF  }
0xb6: {  	_ =	strace $0x9000004B  }
0xb7: {  	_ =	sfence  }
0xb8: {  	s30 =	sld [smem:$0x0];
	_ =	sdelay $0x2  }
0xb9: {  	s31 =	sshll.u32 s1, $0xD;
	s1 =	sshrl.u32 s1, $0x2  }
0xba: {  	s3 =	sand.u32 $0x4000, s31;
	s1 =	sadd.s32 s1, s30  }
0xbb: {  	s0 =	sor.u32 s3, s0;
	s1 =	sshll.u32 s1, $0x11  }
0xbc: {  	s0 =	sor.u32 s1, s0  }
0xbd: {  	s0 =	sadd.s32 $0x8F2B, s0  }
0xbe: {  	[sflag:s0] =	ssyncadd.remote.s32 $0x1  }
0xbf: {  	_ =	sfence.sel $0xFFFF  }
0xc0: {  	[dreg:$0x0] =	wrdreg $0xFFFFFFFF;
	(pc) =	sbr.abs _section_cstart, $3  }
0xc1: {  	[dreg:$0x1] =	wrdreg $0xFFFFFFFF  }
0xc2: {  	_ =	task.clear_ibuf [dreg:s7], $0x2FFFF;
	_ =	strace $0x9FFFFFFF  }
0xc3: {  	(tm) =	ssettm $0x7FFFFFFF  }
tec
execute0_lowered:
.L_overlay_start_1:
0x0: {  	(tag) =	ssettag $0x1  }
0x1: {  	s0 =	rddreg [dreg:$0x0]  }
0x2: {  	s1 =	rddreg [dreg:$0x1]  }
0x3: {  	s3 =	rddreg [dreg:$0x2];
	s4 =	simm.s32 $0x0;
	s12 =	stileid.u32  }
0x4: {  	s2 =	srdreg.scid;
	s28 =	simm.s32 $0x7;
	s29 =	simm.s32 $0x1  }
0x5: {  	s30 =	simm.s32 $0x58;
	s31 =	simm.s32 $0x13F00;
	s7 =	smul.u32 $0x2780, s12  }
0x6: {  	[smem:$0x7FF] =	sst s4;
	s2 =	sand.u32 $0x1, s2;
	s14 =	smul.u32 $0x4F000, s12  }
0x7: {  	s5 =	sadd.s32 $0x32A00, s0;
	s6 =	sadd.s32 $0x1400, s0;
	s18 =	smul.u32 $0x2730, s12  }
0x8: {  	s19 =	sshll.u32 s12, $0x6;
	_ =	strace $0x8000004A;
	s8 =	smul.u32 $0x27800, s2  }
0x9: {  	s9 =	sshll.u32 s2, $0x4;
	s10 =	ssub.s32 $0x2, s2;
	s2 =	smul.u32 $0x27300, s2  }
0xa: {  	s9 =	sor.u32 s12, s9;
	s11 =	sshrl.u32 s10, $0x1;
	s12 =	simm.s32 $0x5  }
0xb: {  	s8 =	sadd.s32 s7, s8;
	s9 =	smul.u32 $0x2730, s9;
	s7 =	sadd.s32 s7, s0  }
0xc: {  	s25 =	ssub.s32 s10, s11;
	s11 =	sshrl.u32 s14, $0x2;
	s2 =	sadd.s32 s18, s2  }
0xd: {  	s14 =	simm.s32 $0x6;
	s0 =	sadd.s32 s8, s0;
	s17 =	sadd.s32 s11, s3  }
0xe: {  	s7 =	sadd.s32 $0xB200, s7;
	s22 =	sadd.s32 $0x1B8, s2;
	s23 =	smax.u32 s25, $0x1  }
0xf: {  	s24 =	sadd.s32 $0x160, s2;
	s8 =	simm.s32 $0x16B00;
	[dreg:$0x8] =	wrdreg s17  }
0x10: {  	s11 =	simm.s32 $0x19700;
	s26 =	sshrl.u32 s9, $0x3;
	[dreg:$0x9] =	wrdreg s7  }
0x11: {  	s9 =	sadd.s32 $0x58, s9;
	s0 =	sadd.s32 $0x59C00, s0;
	[dreg:$0xe] =	wrdreg s23  }
0x12: {  	s25 =	sshrl.u32 s24, $0x3;
	s23 =	simm.s32 $0x13C00;
	s24 =	simm.s32 $0x13D80  }
0x13: {  	s7 =	simm.s32 $0x2;
	s13 =	sadd.s32 s1, s26;
	s15 =	sadd.s32 s6, s26  }
0x14: {  	s9 =	sshrl.u32 s9, $0x3;
	s10 =	sadd.s32 $0x16, s26;
	[dreg:$0xd] =	wrdreg s0  }
0x15: {  	s0 =	sshrl.u32 s22, $0x3;
	s26 =	sadd.s32 $0x108, s2;
	[dreg:$0x4] =	wrdreg s13  }
0x16: {  	s2 =	simm.s32 $0x13E80;
	[dreg:$0x5] =	wrdreg s15;
	s16 =	sadd.s32 s1, s9  }
0x17: {  	s9 =	sadd.s32 s6, s9;
	s13 =	sor.u32 $0x1C07, s19;
	s20 =	sadd.s32 s1, s10  }
0x18: {  	s21 =	sadd.s32 s6, s10;
	s18 =	sadd.s32 s0, s6;
	[dreg:$0xf] =	wrdreg s26  }
.Ltmp0:
0x19: {  	s19 =	sadd.s32 s0, s1;
	[dreg:$0x6] =	wrdreg s16;
	(pc) =	sbr.rel .LBB2_1-.Ltmp0, $4  }
0x1a: {  	s26 =	simm.s32 $0x13E00;
	s0 =	simm.s32 $0x13D00;
	[dreg:$0x7] =	wrdreg s9  }
0x1b: {  	s10 =	simm.s32 $0x3;
	s15 =	simm.s32 $0x0;
	[dreg:$0xb] =	wrdreg s20  }
0x1c: {  	[dreg:$0xc] =	wrdreg s21;
	s20 =	sadd.s32 s25, s6;
	s21 =	sadd.s32 s25, s1  }
0x1d: {  	s25 =	simm.s32 $0x13C80;
	s9 =	simm.s32 $0x4;
	[dreg:$0xa] =	wrdreg s13  }
.LBB2_4:
0x1e: {  	_ =	swait.ge [sflag:s14], $0x2C00  }
0x1f: {  	[sflag:s14] =	ssyncset.done $0x0  }
0x20: {  	[sflag:s14] =	ssyncadd.s32 $0xFFFFD400  }
0x21: {  	[spmem:s3] =	stream.indirect.scatter.add.f32 [tilespmem:s11], [sflag:$0x7], $0x80, s2, s30, $0xb8;
	[tilespmem:$0x1C300] =	vst v63  }
0x22: {  	_ =	swait.ge [sflag:s28], $0x2C00  }
0x23: {  	[sflag:s28] =	ssyncset.done $0x0  }
0x24: {  	[sflag:s28] =	ssyncadd.s32 $0xFFFFD400  }
0x25: {  	[bflag:$0x0] =	sbarrier.arrive $0xFFFF  }
0x26: {  	s13 =	rddreg [dreg:$0xa]  }
0x27: {  	s1 =	rddreg [dreg:$0xd]  }
0x28: {  	s15 =	rddreg [dreg:$0x11]  }
0x29: {  	[hbm:s1], [sflag:s13] =	dma.local [spmem:s15], $0x2780  }
0x2a: {  	_ =	swait.ge [sflag:s28], $0x2780  }
0x2b: {  	s17 =	rddreg [dreg:$0x10]  }
0x2c: {  	s22 =	rddreg [dreg:$0xe];
	s15 =	sadd.s32 $0x1, s17  }
0x2d: {  	p0 =	sne.s32 s15, s22  }
.Ltmp1:
0x2e: {  	_ = 	snop;
	(pc) =	sbr.rel @!p0 .LBB2_5-.Ltmp1, $3  }
0x2f: {  	_ =	sdelay $0x1  }
0x30: {  	[sflag:s28] =	ssyncset.done $0x0  }
0x31: {  	[sflag:s28] =	ssyncadd.s32 $0xFFFFD880  }
.LBB2_1:
0x32: {  	[dreg:$0x10] =	wrdreg s15  }
0x33: {  	s1 =	rddreg [dreg:$0x4]  }
0x34: {  	s15 =	rddreg [dreg:$0x5]  }
0x35: {  	s16 =	rddreg [dreg:$0x6]  }
0x36: {  	s22 =	rddreg [dreg:$0x8]  }
0x37: {  	[tilespmem:s23], [sflag:$0x1] =	stream.linear.gather [hbm4b:s1+s4], $0x58, $0x38;
	[tilespmem:$0x1C300] =	vst v63  }
0x38: {  	s17 =	rddreg [dreg:$0x7];
	s1 =	sshrl.u32 s22, $0x3  }
0x39: {  	[tilespmem:s24], [sflag:$0x1] =	stream.linear.gather [hbm4b:s15+s4], $0x58, $0x38;
	[tilespmem:$0x1C300] =	vst v63  }
0x3a: {  	[dreg:$0x11] =	wrdreg s1  }
0x3b: {  	[tilespmem:s25], [sflag:$0x2] =	stream.linear.gather [hbm4b:s16+s4], $0x58, $0x38;
	[tilespmem:$0x1C300] =	vst v63  }
0x3c: {  	s16 =	rddreg [dreg:$0x9]  }
0x3d: {  	[tilespmem:s26], [sflag:$0x2] =	stream.linear.gather [hbm4b:s17+s4], $0x58, $0x38;
	[tilespmem:$0x1C300] =	vst v63  }
0x3e: {  	[spmem:s1], [sflag:s13] =	dma.local [hbm:s16], $0x2780  }
0x3f: {  	_ =	swait.ge [sflag:s28], $0x2780  }
0x40: {  	[sflag:s28] =	ssyncset.done $0x0  }
0x41: {  	[sflag:s28] =	ssyncadd.s32 $0xFFFFD880  }
0x42: {  	_ =	swait.ge [sflag:s29], $0x58  }
0x43: {  	[sflag:s29] =	ssyncset.done $0x0  }
0x44: {  	[sflag:s29] =	ssyncadd.s32 $0xFFFFFFA8  }
0x45: {  	_ =	swait.ge [sflag:s29], $0x58  }
0x46: {  	[sflag:s29] =	ssyncset.done $0x0  }
0x47: {  	[sflag:s29] =	ssyncadd.s32 $0xFFFFFFA8  }
0x48: {  	[tilespmem:s31], [sflag:$0x4] =	stream.indirect.gather [hbm4b:s5+s30], $0x80, s23, s30, $0xb8;
	[tilespmem:$0x1C300] =	vst v63  }
0x49: {  	s17 =	rddreg [dreg:$0xb]  }
0x4a: {  	[tilespmem:s0], [sflag:$0x3] =	stream.linear.gather [hbm4b:s17+s4], $0x58, $0x38;
	[tilespmem:$0x1C300] =	vst v63  }
0x4b: {  	s22 =	rddreg [dreg:$0xc]  }
0x4c: {  	[tilespmem:s2], [sflag:$0x3] =	stream.linear.gather [hbm4b:s22+s4], $0x58, $0x38;
	[tilespmem:$0x1C300] =	vst v63  }
0x4d: {  	_ =	swait.ge [sflag:s7], $0x58  }
0x4e: {  	[sflag:s7] =	ssyncset.done $0x0  }
0x4f: {  	[sflag:s7] =	ssyncadd.s32 $0xFFFFFFA8  }
0x50: {  	_ =	swait.ge [sflag:s7], $0x58  }
0x51: {  	[sflag:s7] =	ssyncset.done $0x0  }
0x52: {  	[sflag:s7] =	ssyncadd.s32 $0xFFFFFFA8  }
0x53: {  	[tilespmem:s8], [sflag:$0x5] =	stream.indirect.gather [hbm4b:s5+s30], $0x80, s25, s30, $0xb8;
	[tilespmem:$0x1C300] =	vst v63  }
0x54: {  	[bflag:$0x0] =	sbarrier.arrive $0xFFFF  }
0x55: {  	s17 =	simm.s32 $0x0;
	s22 =	rddreg [dreg:$0xf]  }
.LBB2_2:
0x56: {  	_ =	swait.ge [sflag:s9], $0x2C00  }
0x57: {  	[sflag:s9] =	ssyncset.done $0x0  }
0x58: {  	[sflag:s9] =	ssyncadd.s32 $0xFFFFD400  }
0x59: {  	[spmem:s3] =	stream.indirect.scatter.add.f32 [tilespmem:s31], [sflag:$0x7], $0x80, s24, s30, $0xb8;
	[tilespmem:$0x1C300] =	vst v63  }
0x5a: {  	_ =	swait.ge [sflag:s28], $0x2C00  }
0x5b: {  	[sflag:s28] =	ssyncset.done $0x0  }
0x5c: {  	p0 =	seq.s32 s17, $0x4C5;
	[sflag:s28] =	ssyncadd.s32 $0xFFFFD400  }
0x5d: {  	s13 =	sshrl.u32 @!p0 s22, $0x3;
	s1 =	rddreg [dreg:$0x1]  }
0x5e: {  	s15 =	simm.s32 @!p0 $0x0;
	s16 =	sadd.s32 @!p0 s1, s13;
	s1 =	simm.s32 @!p0 $0x13C00  }
0x5f: {  	[tilespmem:s1], [sflag:$0x1] =	stream.linear.gather @!p0 [hbm4b:s16+s15], $0x58, $0x38;
	[tilespmem:$0x1C300] =	vst v63  }
0x60: {  	s1 =	sadd.s32 @!p0 s6, s13;
	s13 =	simm.s32 @!p0 $0x13D80  }
0x61: {  	[tilespmem:s13], [sflag:$0x1] =	stream.linear.gather @!p0 [hbm4b:s1+s15], $0x58, $0x38;
	[tilespmem:$0x1C300] =	vst v63  }
0x62: {  	_ =	swait.ge [sflag:s10], $0x58  }
0x63: {  	[sflag:s10] =	ssyncset.done $0x0  }
0x64: {  	[sflag:s10] =	ssyncadd.s32 $0xFFFFFFA8  }
0x65: {  	_ =	swait.ge [sflag:s10], $0x58  }
0x66: {  	[sflag:s10] =	ssyncset.done $0x0  }
0x67: {  	[sflag:s10] =	ssyncadd.s32 $0xFFFFFFA8  }
0x68: {  	[tilespmem:s11], [sflag:$0x6] =	stream.indirect.gather [hbm4b:s5+s30], $0x80, s0, s30, $0xb8;
	[tilespmem:$0x1C300] =	vst v63  }
0x69: {  	_ =	swait.ge [sflag:s12], $0x2C00  }
0x6a: {  	[sflag:s12] =	ssyncset.done $0x0  }
.Ltmp2:
0x6b: {  	[sflag:s12] =	ssyncadd.s32 $0xFFFFD400;
	(pc) =	sbr.rel @p0 .LBB2_4-.Ltmp2, $4  }
0x6c: {  	[spmem:s3] =	stream.indirect.scatter.add.f32 [tilespmem:s8], [sflag:$0x7], $0x80, s26, s30, $0xb8;
	[tilespmem:$0x1C300] =	vst v63  }
0x6d: {  	_ =	swait.ge [sflag:s28], $0x2C00  }
0x6e: {  	[sflag:s28] =	ssyncset.done $0x0  }
0x6f: {  	[sflag:s28] =	ssyncadd.s32 $0xFFFFD400  }
0x70: {  	s1 =	sadd.s32 s17, s21  }
0x71: {  	[tilespmem:s25], [sflag:$0x2] =	stream.linear.gather [hbm4b:s1+s4], $0x58, $0x38;
	[tilespmem:$0x1C300] =	vst v63  }
0x72: {  	s13 =	sadd.s32 s17, s20  }
0x73: {  	[tilespmem:s26], [sflag:$0x2] =	stream.linear.gather [hbm4b:s13+s4], $0x58, $0x38;
	[tilespmem:$0x1C300] =	vst v63  }
0x74: {  	_ =	swait.ge [sflag:s29], $0x58  }
0x75: {  	[sflag:s29] =	ssyncset.done $0x0  }
0x76: {  	[sflag:s29] =	ssyncadd.s32 $0xFFFFFFA8  }
0x77: {  	_ =	swait.ge [sflag:s29], $0x58  }
0x78: {  	[sflag:s29] =	ssyncset.done $0x0  }
0x79: {  	[sflag:s29] =	ssyncadd.s32 $0xFFFFFFA8  }
0x7a: {  	[tilespmem:s31], [sflag:$0x4] =	stream.indirect.gather [hbm4b:s5+s30], $0x80, s23, s30, $0xb8;
	[tilespmem:$0x1C300] =	vst v63  }
0x7b: {  	_ =	swait.ge [sflag:s14], $0x2C00  }
0x7c: {  	[sflag:s14] =	ssyncset.done $0x0  }
0x7d: {  	[sflag:s14] =	ssyncadd.s32 $0xFFFFD400  }
0x7e: {  	[spmem:s3] =	stream.indirect.scatter.add.f32 [tilespmem:s11], [sflag:$0x7], $0x80, s2, s30, $0xb8;
	[tilespmem:$0x1C300] =	vst v63  }
0x7f: {  	_ =	swait.ge [sflag:s28], $0x2C00  }
0x80: {  	[sflag:s28] =	ssyncset.done $0x0  }
0x81: {  	s15 =	sadd.s32 s17, s19;
	[sflag:s28] =	ssyncadd.s32 $0xFFFFD400  }
0x82: {  	[tilespmem:s0], [sflag:$0x3] =	stream.linear.gather [hbm4b:s15+s4], $0x58, $0x38;
	[tilespmem:$0x1C300] =	vst v63  }
0x83: {  	s16 =	sadd.s32 s17, s18  }
0x84: {  	[tilespmem:s2], [sflag:$0x3] =	stream.linear.gather [hbm4b:s16+s4], $0x58, $0x38;
	[tilespmem:$0x1C300] =	vst v63  }
0x85: {  	_ =	swait.ge [sflag:s7], $0x58  }
0x86: {  	[sflag:s7] =	ssyncset.done $0x0  }
.Ltmp3:
0x87: {  	[sflag:s7] =	ssyncadd.s32 $0xFFFFFFA8;
	(pc) =	sbr.rel .LBB2_2-.Ltmp3, $4  }
0x88: {  	_ =	swait.ge [sflag:s7], $0x58  }
0x89: {  	[sflag:s7] =	ssyncset.done $0x0  }
0x8a: {  	s17 =	sadd.s32 $0x21, s17;
	s22 =	sadd.s32 $0x108, s22;
	[sflag:s7] =	ssyncadd.s32 $0xFFFFFFA8  }
0x8b: {  	[tilespmem:s8], [sflag:$0x5] =	stream.indirect.gather [hbm4b:s5+s30], $0x80, s25, s30, $0xb8;
	[tilespmem:$0x1C300] =	vst v63  }
.LBB2_5:
0x8c: {  	_ =	sfence.sel $0x180000  }
0x8d: {  	[bflag:$0x0] =	sbarrier.arrive $0xFFFF  }
0x8e: {  	_ =	strace $0x9000004A  }
0x8f: {  	s0 =	stileid.u32;
	[bflag:$0x2] =	sbarrier.arrive $0xFFFF  }
0x90: {  	p0 =	sne.s32 s0, $0x0;
	s0 =	rddreg [dreg:$0x3]  }
0x91: {  	s0 =	sadd.s32 @!p0 $0x100000, s0  }
0x92: {  	[sflag:s0] =	ssyncadd.tile.s32 @!p0 $0x1;
	_ =	shalt  }
.Lfunc_end2:
_tile_overlayer_lowered:
.L_overlay_start_2:
0x93: {  	(tag) =	ssettag $0x2  }
0x94: {  	s0 =	rddreg [dreg:$0x0];
	s2 =	stileid.u32  }
0x95: {  	s1 =	rddreg [dreg:$0x1];
	p0 =	sne.s32 s2, $0x0  }
0x96: {  	s3 =	rddreg [dreg:$0x2];
	[bflag:$0x3] =	sbarrier.arrive $0xFFFF;
	s2 =	simm.s32 @!p0 $0x1C07  }
0x97: {  	[timem:s3], [sflag:s2] =	dma.local @!p0 [hbm:s0], s1  }
0x98: {  	s0 =	simm.s32 @!p0 $0x7  }
0x99: {  	_ =	swait.ge @!p0 [sflag:s0], s1  }
0x9a: {  	s1 =	ssub.s32 @!p0 $0x0, s1;
	[sflag:s0] =	ssyncset.done @!p0 $0x0  }
0x9b: {  	[sflag:s0] =	ssyncadd.s32 @!p0 s1  }
0x9c: {  	[bflag:$0x3] =	sbarrier.arrive $0xFFFF  }
0x9d: {  	_ =	shalt  }

</sc_bundles>
